<compile_context>
chip_gen: v7x
topology: tpu7x:2x2x1
jax: 0.10.2.dev20260603
libtpu: 0.0.44.dev20260713+nightly
codegen_flags: <defaults>
</compile_context>

<pallas_src>
import functools

import jax
import jax.numpy as jnp
from jax import lax
from jax.experimental import pallas as pl
from jax.experimental.pallas import tpu as pltpu
from jax.experimental.pallas import tpu_sc as plsc

N_R = 1_000_000
N_CL = 3
NNZ = 2_000_000

HALF = 500_000
DUMP = 3 * HALF
DUMP_MASK = 8191
ACC_WORDS = 2048 * 737

C1 = 2048
N_FULL1 = NNZ // C1
TAIL1 = NNZ - N_FULL1 * C1

C2 = 1024
N_FULL2 = HALF // C2
TAIL2 = HALF - N_FULL2 * C2

_mesh = plsc.VectorSubcoreMesh(core_axis_name="c", subcore_axis_name="s")


@functools.partial(
    pl.kernel,
    out_type=[jax.ShapeDtypeStruct((N_R,), jnp.float32) for _ in range(3)],
    mesh=_mesh,
    scratch_types=[
        pltpu.VMEM_SHARED((ACC_WORDS,), jnp.float32),
        pltpu.VMEM((2048,), jnp.float32),
        pltpu.VMEM((2 * C1,), jnp.int32),
        pltpu.VMEM((2 * C1,), jnp.int32),
        pltpu.VMEM((2 * C1,), jnp.float32),
        pltpu.VMEM((C1,), jnp.int32),
        pltpu.VMEM((C1,), jnp.int32),
        pltpu.VMEM((TAIL1,), jnp.int32),
        pltpu.VMEM((144,), jnp.float32),
        pltpu.VMEM((2 * 3 * C2,), jnp.float32),
        pltpu.VMEM((2 * 3 * C2,), jnp.float32),
        pltpu.SemaphoreType.DMA,
        pltpu.SemaphoreType.DMA,
        pltpu.SemaphoreType.DMA,
        pltpu.SemaphoreType.DMA,
        pltpu.SemaphoreType.DMA,
        pltpu.SemaphoreType.DMA,
        pltpu.SemaphoreType.DMA,
    ],
)
def _sc_spmm(rows_hbm, cols_hbm, vals_hbm, w_hbm, o0_hbm, o1_hbm, o2_hbm,
             acc, zeros_v, rows_b, cols_b, vals_b, idx_b0, idx_b1,
             idx_t, w_v, p_b, o_b, sem_i0, sem_i1, sem_s0, sem_s1,
             sem_p0, sem_p1, sem_o):
    outs = (o0_hbm, o1_hbm, o2_hbm)
    idx_sets = (idx_b0, idx_b1)
    sem_is = (sem_i0, sem_i1)
    sem_ss = (sem_s0, sem_s1)
    sem_ps = (sem_p0, sem_p1)
    cid = lax.axis_index("c")
    sid = lax.axis_index("s")
    row_lo = cid * HALF
    iota = lax.iota(jnp.int32, 16)

    def _start_in(k, s):
        base = k * C1
        off = s * C1
        pltpu.async_copy(rows_hbm.at[pl.ds(base, C1)],
                         rows_b.at[pl.ds(off, C1)], sem_is[s])
        pltpu.async_copy(cols_hbm.at[pl.ds(base, C1)],
                         cols_b.at[pl.ds(off, C1)], sem_is[s])
        pltpu.async_copy(vals_hbm.at[pl.ds(base, C1)],
                         vals_b.at[pl.ds(off, C1)], sem_is[s])

    def _drain_in(s):
        off = s * C1
        for ref in (rows_b, cols_b, vals_b):
            pltpu.make_async_copy(rows_hbm.at[pl.ds(0, C1)],
                                  ref.at[pl.ds(off, C1)], sem_is[s]).wait()

    _start_in(sid, 0)

    def _zfill(i, carry):
        zeros_v[pl.ds(i * 16, 16)] = jnp.zeros((16,), jnp.float32)
        return carry
    lax.fori_loop(0, 128, _zfill, 0)
    n_zc = ACC_WORDS // 2048

    def _zchunk(m, carry):
        k = sid + m * 16

        @pl.when(k < n_zc)
        def _():
            pltpu.async_copy(zeros_v, acc.at[pl.ds(k * 2048, 2048)], sem_o)
        return carry
    lax.fori_loop(0, (n_zc + 15) // 16, _zchunk, 0)

    def _zdrain(m, carry):
        k = sid + m * 16

        @pl.when(k < n_zc)
        def _():
            pltpu.make_async_copy(zeros_v, acc.at[pl.ds(0, 2048)],
                                  sem_o).wait()
        return carry
    lax.fori_loop(0, (n_zc + 15) // 16, _zdrain, 0)
    plsc.subcore_barrier()

    def _compute_idx(s, n, iref):
        off = s * C1

        def _grp4(i, carry):
            for h in range(4):
                i16 = i * 64 + h * 16
                r = rows_b[pl.ds(off + i16, 16)]
                c = cols_b[pl.ds(off + i16, 16)]
                t = r - row_lo
                mask = (t >= 0) & (t < HALF)
                idx = c * HALF + t
                dmp = DUMP + ((i16 & DUMP_MASK) + iota)
                iref[pl.ds(i16, 16)] = jnp.where(mask, idx, dmp)
            return carry
        lax.fori_loop(0, n // 64, _grp4, 0)

    def _scatter_start(s, iref):
        pltpu.async_copy(vals_b.at[pl.ds(s * C1, C1)], acc.at[iref],
                         sem_ss[s], add=True)

    def _wait_sc(s):
        pltpu.make_async_copy(vals_b.at[pl.ds(s * C1, C1)],
                              acc.at[idx_sets[s]], sem_ss[s]).wait()

    def _p1(m, carry):
        kA = sid + m * 32
        kB = kA + 16
        kA2 = kA + 32

        @pl.when(m > 0)
        def _():
            _wait_sc(1)

        @pl.when(kB < N_FULL1)
        def _():
            _start_in(kB, 1)

        _drain_in(0)
        _compute_idx(0, C1, idx_b0)
        _scatter_start(0, idx_b0)

        @pl.when(kB < N_FULL1)
        def _():
            _drain_in(1)
            _compute_idx(1, C1, idx_b1)
            _wait_sc(0)

            @pl.when(kA2 < N_FULL1)
            def _():
                _start_in(kA2, 0)
            _scatter_start(1, idx_b1)

        @pl.when(kB >= N_FULL1)
        def _():
            _wait_sc(0)
        return carry
    lax.fori_loop(0, (N_FULL1 + 31) // 32, _p1, 0)

    @pl.when(sid == 15)
    def _():
        base = N_FULL1 * C1
        pltpu.sync_copy(rows_hbm.at[pl.ds(base, TAIL1)],
                        rows_b.at[pl.ds(0, TAIL1)])
        pltpu.sync_copy(cols_hbm.at[pl.ds(base, TAIL1)],
                        cols_b.at[pl.ds(0, TAIL1)])
        pltpu.sync_copy(vals_hbm.at[pl.ds(base, TAIL1)],
                        vals_b.at[pl.ds(0, TAIL1)])
        _compute_idx(0, TAIL1, idx_t)
        pltpu.sync_copy(vals_b.at[pl.ds(0, TAIL1)], acc.at[idx_t], add=True)

    plsc.subcore_barrier()

    pltpu.sync_copy(w_hbm, w_v)
    w = [[w_v[pl.ds((3 * i + j) * 16, 16)] for j in range(3)] for i in range(3)]

    def _start_p2(k, s):
        row0 = k * C2
        for c in range(3):
            pltpu.async_copy(acc.at[pl.ds(c * HALF + row0, C2)],
                             p_b.at[pl.ds((s * 3 + c) * C2, C2)], sem_ps[s])

    def _drain_p2(s):
        for c in range(3):
            pltpu.make_async_copy(acc.at[pl.ds(0, C2)],
                                  p_b.at[pl.ds((s * 3 + c) * C2, C2)],
                                  sem_ps[s]).wait()

    def _fma(s, n):
        poff = s * 3 * C2

        def _grp(l, carry):
            l16 = l * 16
            a = [p_b[pl.ds(poff + c * C2 + l16, 16)] for c in range(3)]
            for j in range(3):
                o_b[pl.ds(poff + j * C2 + l16, 16)] = (
                    a[0] * w[0][j] + a[1] * w[1][j] + a[2] * w[2][j])
            return carry
        lax.fori_loop(0, n // 16, _grp, 0)

    def _out(k, s, n):
        row0 = row_lo + k * C2
        hs = [pltpu.async_copy(o_b.at[pl.ds((s * 3 + j) * C2, n)],
                               outs[j].at[pl.ds(row0, n)], sem_o)
              for j in range(3)]
        for h in hs:
            h.wait()

    @pl.when(sid < N_FULL2)
    def _():
        _start_p2(sid, 0)

    def _p2(m, carry):
        kA = sid + m * 32
        kB = kA + 16
        kA2 = kA + 32

        @pl.when(kB < N_FULL2)
        def _():
            _start_p2(kB, 1)

        @pl.when(kA < N_FULL2)
        def _():
            _drain_p2(0)
            _fma(0, C2)
            _out(kA, 0, C2)

        @pl.when(kA2 < N_FULL2)
        def _():
            _start_p2(kA2, 0)

        @pl.when(kB < N_FULL2)
        def _():
            _drain_p2(1)
            _fma(1, C2)
            _out(kB, 1, C2)
        return carry
    lax.fori_loop(0, (N_FULL2 + 31) // 32, _p2, 0)

    @pl.when(sid == 15)
    def _():
        row0 = N_FULL2 * C2
        for c in range(3):
            pltpu.sync_copy(acc.at[pl.ds(c * HALF + row0, TAIL2)],
                            p_b.at[pl.ds(c * C2, TAIL2)])
        _fma(0, TAIL2)
        for j in range(3):
            pltpu.sync_copy(o_b.at[pl.ds(j * C2, TAIL2)],
                            outs[j].at[pl.ds(row_lo + row0, TAIL2)])


def kernel(x_rows, x_cols, x_values, dense_weight):
    wb = jnp.broadcast_to(dense_weight.reshape(9, 1), (9, 16)).reshape(144)
    o0, o1, o2 = _sc_spmm(x_rows.astype(jnp.int32), x_cols.astype(jnp.int32),
                          x_values, wb)
    e = jnp.eye(3, dtype=jnp.float32)
    return o0[:, None] * e[0] + o1[:, None] * e[1] + o2[:, None] * e[2]

# --- scband reference (transcript-rebuilt; emitter-appended) ---
"""Pipeline reference for scband-my-model-61933428411054 (READ-ONLY COPY).

The authoritative reference and input builder live on the scoring server;
editing this copy changes nothing except your own understanding.
"""

import jax, jax.numpy as jnp
import numpy as np

N_ROWS = 1000000
N_COLS = 3
NNZ = 2000000

def setup_inputs(seed: int = 0) -> dict:
    key = jax.random.key(seed)
    k1, k2, k3, k4 = jax.random.split(key, 4)
    x_rows = jax.random.randint(k1, (NNZ,), 0, N_ROWS)
    x_cols = jax.random.randint(k2, (NNZ,), 0, N_COLS)
    x_values = jax.random.normal(k3, (NNZ,), dtype=jnp.float32)
    dense_weight = jax.random.normal(k4, (N_COLS, N_COLS), dtype=jnp.float32)
    return {"x_rows": x_rows, "x_cols": x_cols, "x_values": x_values, "dense_weight": dense_weight}

def reference(x_rows, x_cols, x_values, dense_weight):
    # torch.sparse.mm(x, W): out[r, :] = sum_{(r,c,v) in x} v * W[c, :]
    # coalesce() sums duplicate (r,c) entries; since mm is linear in values,
    # scatter-adding uncoalesced entries is mathematically identical.
    contrib = x_values[:, None] * jnp.take(dense_weight, x_cols, axis=0)  # [nnz, 3]
    out = jnp.zeros((N_ROWS, N_COLS), dtype=contrib.dtype).at[x_rows].add(contrib)
    return out

if __name__ == "__main__":
    import jax
    _d = setup_inputs()
    print(jax.jit(kernel)(*tuple(_d.values())))

</pallas_src>

<mosaic_0001>
#map = affine_map<(d0, d1) -> (0)>
module attributes {stable_mosaic.version = 14 : i64} {
  func.func @_sc_spmm(%arg0: i32, %arg1: i32, %arg2: memref<2000000xi32, #tpu.memory_space<hbm>>, %arg3: memref<2000000xi32, #tpu.memory_space<hbm>>, %arg4: memref<2000000xf32, #tpu.memory_space<hbm>>, %arg5: memref<144xf32, #tpu.memory_space<hbm>>, %arg6: memref<1000000xf32, #tpu.memory_space<hbm>>, %arg7: memref<1000000xf32, #tpu.memory_space<hbm>>, %arg8: memref<1000000xf32, #tpu.memory_space<hbm>>, %arg9: memref<1509376xf32, #tpu.memory_space<vmem_shared>>, %arg10: memref<2048xf32, #tpu.memory_space<vmem>>, %arg11: memref<4096xi32, #tpu.memory_space<vmem>>, %arg12: memref<4096xi32, #tpu.memory_space<vmem>>, %arg13: memref<4096xf32, #tpu.memory_space<vmem>>, %arg14: memref<2048xi32, #tpu.memory_space<vmem>>, %arg15: memref<2048xi32, #tpu.memory_space<vmem>>, %arg16: memref<1152xi32, #tpu.memory_space<vmem>>, %arg17: memref<144xf32, #tpu.memory_space<vmem>>, %arg18: memref<6144xf32, #tpu.memory_space<vmem>>, %arg19: memref<6144xf32, #tpu.memory_space<vmem>>, %arg20: memref<!tpu.dma_semaphore, #tpu.memory_space<semaphore_mem>>, %arg21: memref<!tpu.dma_semaphore, #tpu.memory_space<semaphore_mem>>, %arg22: memref<!tpu.dma_semaphore, #tpu.memory_space<semaphore_mem>>, %arg23: memref<!tpu.dma_semaphore, #tpu.memory_space<semaphore_mem>>, %arg24: memref<!tpu.dma_semaphore, #tpu.memory_space<semaphore_mem>>, %arg25: memref<!tpu.dma_semaphore, #tpu.memory_space<semaphore_mem>>, %arg26: memref<!tpu.dma_semaphore, #tpu.memory_space<semaphore_mem>>) attributes {dimension_semantics = [#tpu.dimension_semantics<core_parallel>, #tpu.dimension_semantics<subcore_parallel>], iteration_bounds = array<i64: 2, 16>, scalar_prefetch = 0 : i64, scratch_operands = 18 : i64, tpu.core_type = #tpu.core_type<sc_vector_subcore>, window_params = [{transform_indices = #map}, {transform_indices = #map}, {transform_indices = #map}, {transform_indices = #map}, {transform_indices = #map}, {transform_indices = #map}, {transform_indices = #map}]} {
    %mul3A = arith.constant 500000 : i32
    %mul3A_0 = arith.muli %arg0, %mul3A : i32
    %iota3A = tpu.iota {dimensions = array<i32: 0>} : vector<16xi32>
    %mul3A_1 = arith.constant 2048 : i32
    %mul3A_2 = arith.muli %arg1, %mul3A_1 : i32
    %dma_start3A = arith.constant 0 : i32
    %dma_start3A_3 = tpu.memref_slice %arg11[%dma_start3A] : memref<4096xi32, #tpu.memory_space<vmem>> -> memref<2048xi32, #tpu.memory_space<vmem>>
    %dma_start3A_4 = tpu.memref_slice %arg2[%mul3A_2] : memref<2000000xi32, #tpu.memory_space<hbm>> -> memref<2048xi32, #tpu.memory_space<hbm>>
    %dma_start3A_5 = arith.constant 0 : i32
    %dma_start3A_6 = tpu.memref_slice %arg11[%dma_start3A_5] : memref<4096xi32, #tpu.memory_space<vmem>> -> memref<2048xi32, #tpu.memory_space<vmem>>
    %dma_start3A_7 = tpu.memref_slice %arg2[%mul3A_2] : memref<2000000xi32, #tpu.memory_space<hbm>> -> memref<2048xi32, #tpu.memory_space<hbm>>
    tpu.enqueue_dma source(%dma_start3A_7 : memref<2048xi32, #tpu.memory_space<hbm>>) target(%dma_start3A_6 : memref<2048xi32, #tpu.memory_space<vmem>>) target_semaphore(%arg20 : memref<!tpu.dma_semaphore, #tpu.memory_space<semaphore_mem>>)
    %dma_start3A_8 = arith.constant 0 : i32
    %dma_start3A_9 = tpu.memref_slice %arg12[%dma_start3A_8] : memref<4096xi32, #tpu.memory_space<vmem>> -> memref<2048xi32, #tpu.memory_space<vmem>>
    %dma_start3A_10 = tpu.memref_slice %arg3[%mul3A_2] : memref<2000000xi32, #tpu.memory_space<hbm>> -> memref<2048xi32, #tpu.memory_space<hbm>>
    %dma_start3A_11 = arith.constant 0 : i32
    %dma_start3A_12 = tpu.memref_slice %arg12[%dma_start3A_11] : memref<4096xi32, #tpu.memory_space<vmem>> -> memref<2048xi32, #tpu.memory_space<vmem>>
    %dma_start3A_13 = tpu.memref_slice %arg3[%mul3A_2] : memref<2000000xi32, #tpu.memory_space<hbm>> -> memref<2048xi32, #tpu.memory_space<hbm>>
    tpu.enqueue_dma source(%dma_start3A_13 : memref<2048xi32, #tpu.memory_space<hbm>>) target(%dma_start3A_12 : memref<2048xi32, #tpu.memory_space<vmem>>) target_semaphore(%arg20 : memref<!tpu.dma_semaphore, #tpu.memory_space<semaphore_mem>>)
    %dma_start3A_14 = arith.constant 0 : i32
    %dma_start3A_15 = tpu.memref_slice %arg13[%dma_start3A_14] : memref<4096xf32, #tpu.memory_space<vmem>> -> memref<2048xf32, #tpu.memory_space<vmem>>
    %dma_start3A_16 = tpu.memref_slice %arg4[%mul3A_2] : memref<2000000xf32, #tpu.memory_space<hbm>> -> memref<2048xf32, #tpu.memory_space<hbm>>
    %dma_start3A_17 = arith.constant 0 : i32
    %dma_start3A_18 = tpu.memref_slice %arg13[%dma_start3A_17] : memref<4096xf32, #tpu.memory_space<vmem>> -> memref<2048xf32, #tpu.memory_space<vmem>>
    %dma_start3A_19 = tpu.memref_slice %arg4[%mul3A_2] : memref<2000000xf32, #tpu.memory_space<hbm>> -> memref<2048xf32, #tpu.memory_space<hbm>>
    tpu.enqueue_dma source(%dma_start3A_19 : memref<2048xf32, #tpu.memory_space<hbm>>) target(%dma_start3A_18 : memref<2048xf32, #tpu.memory_space<vmem>>) target_semaphore(%arg20 : memref<!tpu.dma_semaphore, #tpu.memory_space<semaphore_mem>>)
    %scan3A = arith.constant 0 : i32
    %scan3A_20 = arith.constant 0 : i32
    %scan3A_21 = arith.constant 128 : i32
    %scan3A_22 = arith.addi %scan3A_20, %scan3A_21 : i32
    %scan3A_23 = arith.constant 1 : i32
    scf.for %scan3A_87 = %scan3A_20 to %scan3A_22 step %scan3A_23  : i32 {
      %broadcast_in_dim3A = arith.constant 0.000000e+00 : f32
      %broadcast_in_dim3A_88 = vector.broadcast %broadcast_in_dim3A : f32 to vector<16xf32>
      %mul3A_89 = arith.constant 16 : i32
      %mul3A_90 = arith.muli %scan3A_87, %mul3A_89 : i32
      %swap3A = arith.index_cast %mul3A_90 : i32 to index
      %swap3A_91 = tpu.vector_load %arg10[%swap3A] {strides = array<i32>} : memref<2048xf32, #tpu.memory_space<vmem>>, vector<16xf32>,
      %swap3A_92 = vector.shape_cast %swap3A_91 : vector<16xf32> to vector<16xf32>
      %swap3A_93 = vector.shape_cast %broadcast_in_dim3A_88 : vector<16xf32> to vector<16xf32>
      tpu.vector_store %arg10[%swap3A], %swap3A_93 {strides = array<i32>} : memref<2048xf32, #tpu.memory_space<vmem>>, vector<16xf32>,
    }
    %scan3A_24 = arith.constant 128 : i32
    %scan3A_25 = arith.constant 0 : i32
    %scan3A_26 = arith.constant 0 : i32
    %scan3A_27 = arith.constant 47 : i32
    %scan3A_28 = arith.addi %scan3A_26, %scan3A_27 : i32
    %scan3A_29 = arith.constant 1 : i32
    scf.for %scan3A_87 = %scan3A_26 to %scan3A_28 step %scan3A_29  : i32 {
      %mul3A_88 = arith.constant 16 : i32
      %mul3A_89 = arith.muli %scan3A_87, %mul3A_88 : i32
      %add3A = arith.addi %arg1, %mul3A_89 : i32
      %lt3A_90 = arith.constant 737 : i32
      %lt3A_91 = arith.cmpi slt, %add3A, %lt3A_90 : i32
      %convert_element_type3A_92 = arith.extui %lt3A_91 : i1 to i32
      %cond3A_93 = arith.constant 0 : i32
      %cond3A_94 = arith.cmpi ne, %convert_element_type3A_92, %cond3A_93 : i32
      scf.if %cond3A_94 {
        %mul3A_95 = arith.constant 2048 : i32
        %mul3A_96 = arith.muli %add3A, %mul3A_95 : i32
        %dma_start3A_97 = tpu.memref_slice %arg9[%mul3A_96] : memref<1509376xf32, #tpu.memory_space<vmem_shared>> -> memref<2048xf32, #tpu.memory_space<vmem_shared>>
        %dma_start3A_98 = tpu.memref_slice %arg9[%mul3A_96] : memref<1509376xf32, #tpu.memory_space<vmem_shared>> -> memref<2048xf32, #tpu.memory_space<vmem_shared>>
        tpu.enqueue_dma source(%arg10 : memref<2048xf32, #tpu.memory_space<vmem>>) target(%dma_start3A_98 : memref<2048xf32, #tpu.memory_space<vmem_shared>>) target_semaphore(%arg26 : memref<!tpu.dma_semaphore, #tpu.memory_space<semaphore_mem>>)
      } else {
      }
    }
    %scan3A_30 = arith.constant 47 : i32
    %scan3A_31 = arith.constant 0 : i32
    %scan3A_32 = arith.constant 0 : i32
    %scan3A_33 = arith.constant 47 : i32
    %scan3A_34 = arith.addi %scan3A_32, %scan3A_33 : i32
    %scan3A_35 = arith.constant 1 : i32
    scf.for %scan3A_87 = %scan3A_32 to %scan3A_34 step %scan3A_35  : i32 {
      %mul3A_88 = arith.constant 16 : i32
      %mul3A_89 = arith.muli %scan3A_87, %mul3A_88 : i32
      %add3A = arith.addi %arg1, %mul3A_89 : i32
      %lt3A_90 = arith.constant 737 : i32
      %lt3A_91 = arith.cmpi slt, %add3A, %lt3A_90 : i32
      %convert_element_type3A_92 = arith.extui %lt3A_91 : i1 to i32
      %cond3A_93 = arith.constant 0 : i32
      %cond3A_94 = arith.cmpi ne, %convert_element_type3A_92, %cond3A_93 : i32
      scf.if %cond3A_94 {
        %dma_wait3A = arith.constant 0 : i32
        %dma_wait3A_95 = tpu.memref_slice %arg9[%dma_wait3A] : memref<1509376xf32, #tpu.memory_space<vmem_shared>> -> memref<2048xf32, #tpu.memory_space<vmem_shared>>
        %dma_wait3A_96 = arith.constant 0 : i32
        %dma_wait3A_97 = tpu.memref_slice %arg9[%dma_wait3A_96] : memref<1509376xf32, #tpu.memory_space<vmem_shared>> -> memref<2048xf32, #tpu.memory_space<vmem_shared>>
        tpu.wait_dma2 semaphore(%arg26 : memref<!tpu.dma_semaphore, #tpu.memory_space<semaphore_mem>>) src(%arg10 : memref<2048xf32, #tpu.memory_space<vmem>>) dst(%dma_wait3A_97 : memref<2048xf32, #tpu.memory_space<vmem_shared>>)
      } else {
      }
    }
    %scan3A_36 = arith.constant 47 : i32
    %barrier3A = arith.constant 0 : index
    tpu.barrier barrier_id(%barrier3A)
    %scan3A_37 = arith.constant 0 : i32
    %scan3A_38 = arith.constant 0 : i32
    %scan3A_39 = arith.constant 31 : i32
    %scan3A_40 = arith.addi %scan3A_38, %scan3A_39 : i32
    %scan3A_41 = arith.constant 1 : i32
    scf.for %scan3A_87 = %scan3A_38 to %scan3A_40 step %scan3A_41  : i32 {
      %mul3A_88 = arith.constant 32 : i32
      %mul3A_89 = arith.muli %scan3A_87, %mul3A_88 : i32
      %add3A = arith.addi %arg1, %mul3A_89 : i32
      %add3A_90 = arith.constant 16 : i32
      %add3A_91 = arith.addi %add3A, %add3A_90 : i32
      %add3A_92 = arith.constant 32 : i32
      %add3A_93 = arith.addi %add3A, %add3A_92 : i32
      %gt3A = arith.constant 0 : i32
      %gt3A_94 = arith.cmpi sgt, %scan3A_87, %gt3A : i32
      %convert_element_type3A_95 = arith.extui %gt3A_94 : i1 to i32
      %cond3A_96 = arith.constant 0 : i32
      %cond3A_97 = arith.cmpi ne, %convert_element_type3A_95, %cond3A_96 : i32
      scf.if %cond3A_97 {
        %dma_wait3A_145 = arith.constant 2048 : i32
        %dma_wait3A_146 = tpu.memref_slice %arg13[%dma_wait3A_145] : memref<4096xf32, #tpu.memory_space<vmem>> -> memref<2048xf32, #tpu.memory_space<vmem>>
        %dma_wait3A_147 = arith.constant 0 : i32
        %dma_wait3A_148 = tpu.memref_slice %arg9[%dma_wait3A_147] : memref<1509376xf32, #tpu.memory_space<vmem_shared>> -> memref<1509376xf32, #tpu.memory_space<vmem_shared>>
        tpu.wait_indirect_dma semaphore(%arg23 : memref<!tpu.dma_semaphore, #tpu.memory_space<semaphore_mem>>) src(%dma_wait3A_146 : memref<2048xf32, #tpu.memory_space<vmem>>) dst(%dma_wait3A_148 : memref<1509376xf32, #tpu.memory_space<vmem_shared>>)
      } else {
      }
      %lt3A_98 = arith.constant 976 : i32
      %lt3A_99 = arith.cmpi slt, %add3A_91, %lt3A_98 : i32
      %convert_element_type3A_100 = arith.extui %lt3A_99 : i1 to i32
      %cond3A_101 = arith.constant 0 : i32
      %cond3A_102 = arith.cmpi ne, %convert_element_type3A_100, %cond3A_101 : i32
      scf.if %cond3A_102 {
        %mul3A_145 = arith.constant 2048 : i32
        %mul3A_146 = arith.muli %add3A_91, %mul3A_145 : i32
        %dma_start3A_147 = arith.constant 2048 : i32
        %dma_start3A_148 = tpu.memref_slice %arg11[%dma_start3A_147] : memref<4096xi32, #tpu.memory_space<vmem>> -> memref<2048xi32, #tpu.memory_space<vmem>>
        %dma_start3A_149 = tpu.memref_slice %arg2[%mul3A_146] : memref<2000000xi32, #tpu.memory_space<hbm>> -> memref<2048xi32, #tpu.memory_space<hbm>>
        %dma_start3A_150 = arith.constant 2048 : i32
        %dma_start3A_151 = tpu.memref_slice %arg11[%dma_start3A_150] : memref<4096xi32, #tpu.memory_space<vmem>> -> memref<2048xi32, #tpu.memory_space<vmem>>
        %dma_start3A_152 = tpu.memref_slice %arg2[%mul3A_146] : memref<2000000xi32, #tpu.memory_space<hbm>> -> memref<2048xi32, #tpu.memory_space<hbm>>
        tpu.enqueue_dma source(%dma_start3A_152 : memref<2048xi32, #tpu.memory_space<hbm>>) target(%dma_start3A_151 : memref<2048xi32, #tpu.memory_space<vmem>>) target_semaphore(%arg21 : memref<!tpu.dma_semaphore, #tpu.memory_space<semaphore_mem>>)
        %dma_start3A_153 = arith.constant 2048 : i32
        %dma_start3A_154 = tpu.memref_slice %arg12[%dma_start3A_153] : memref<4096xi32, #tpu.memory_space<vmem>> -> memref<2048xi32, #tpu.memory_space<vmem>>
        %dma_start3A_155 = tpu.memref_slice %arg3[%mul3A_146] : memref<2000000xi32, #tpu.memory_space<hbm>> -> memref<2048xi32, #tpu.memory_space<hbm>>
        %dma_start3A_156 = arith.constant 2048 : i32
        %dma_start3A_157 = tpu.memref_slice %arg12[%dma_start3A_156] : memref<4096xi32, #tpu.memory_space<vmem>> -> memref<2048xi32, #tpu.memory_space<vmem>>
        %dma_start3A_158 = tpu.memref_slice %arg3[%mul3A_146] : memref<2000000xi32, #tpu.memory_space<hbm>> -> memref<2048xi32, #tpu.memory_space<hbm>>
        tpu.enqueue_dma source(%dma_start3A_158 : memref<2048xi32, #tpu.memory_space<hbm>>) target(%dma_start3A_157 : memref<2048xi32, #tpu.memory_space<vmem>>) target_semaphore(%arg21 : memref<!tpu.dma_semaphore, #tpu.memory_space<semaphore_mem>>)
        %dma_start3A_159 = arith.constant 2048 : i32
        %dma_start3A_160 = tpu.memref_slice %arg13[%dma_start3A_159] : memref<4096xf32, #tpu.memory_space<vmem>> -> memref<2048xf32, #tpu.memory_space<vmem>>
        %dma_start3A_161 = tpu.memref_slice %arg4[%mul3A_146] : memref<2000000xf32, #tpu.memory_space<hbm>> -> memref<2048xf32, #tpu.memory_space<hbm>>
        %dma_start3A_162 = arith.constant 2048 : i32
        %dma_start3A_163 = tpu.memref_slice %arg13[%dma_start3A_162] : memref<4096xf32, #tpu.memory_space<vmem>> -> memref<2048xf32, #tpu.memory_space<vmem>>
        %dma_start3A_164 = tpu.memref_slice %arg4[%mul3A_146] : memref<2000000xf32, #tpu.memory_space<hbm>> -> memref<2048xf32, #tpu.memory_space<hbm>>
        tpu.enqueue_dma source(%dma_start3A_164 : memref<2048xf32, #tpu.memory_space<hbm>>) target(%dma_start3A_163 : memref<2048xf32, #tpu.memory_space<vmem>>) target_semaphore(%arg21 : memref<!tpu.dma_semaphore, #tpu.memory_space<semaphore_mem>>)
      } else {
      }
      %dma_wait3A = arith.constant 0 : i32
      %dma_wait3A_103 = tpu.memref_slice %arg11[%dma_wait3A] : memref<4096xi32, #tpu.memory_space<vmem>> -> memref<2048xi32, #tpu.memory_space<vmem>>
      %dma_wait3A_104 = arith.constant 0 : i32
      %dma_wait3A_105 = tpu.memref_slice %arg2[%dma_wait3A_104] : memref<2000000xi32, #tpu.memory_space<hbm>> -> memref<2048xi32, #tpu.memory_space<hbm>>
      %dma_wait3A_106 = arith.constant 0 : i32
      %dma_wait3A_107 = tpu.memref_slice %arg11[%dma_wait3A_106] : memref<4096xi32, #tpu.memory_space<vmem>> -> memref<2048xi32, #tpu.memory_space<vmem>>
      %dma_wait3A_108 = arith.constant 0 : i32
      %dma_wait3A_109 = tpu.memref_slice %arg2[%dma_wait3A_108] : memref<2000000xi32, #tpu.memory_space<hbm>> -> memref<2048xi32, #tpu.memory_space<hbm>>
      tpu.wait_dma2 semaphore(%arg20 : memref<!tpu.dma_semaphore, #tpu.memory_space<semaphore_mem>>) src(%dma_wait3A_109 : memref<2048xi32, #tpu.memory_space<hbm>>) dst(%dma_wait3A_107 : memref<2048xi32, #tpu.memory_space<vmem>>)
      %dma_wait3A_110 = arith.constant 0 : i32
      %dma_wait3A_111 = tpu.memref_slice %arg12[%dma_wait3A_110] : memref<4096xi32, #tpu.memory_space<vmem>> -> memref<2048xi32, #tpu.memory_space<vmem>>
      %dma_wait3A_112 = arith.constant 0 : i32
      %dma_wait3A_113 = tpu.memref_slice %arg2[%dma_wait3A_112] : memref<2000000xi32, #tpu.memory_space<hbm>> -> memref<2048xi32, #tpu.memory_space<hbm>>
      %dma_wait3A_114 = arith.constant 0 : i32
      %dma_wait3A_115 = tpu.memref_slice %arg12[%dma_wait3A_114] : memref<4096xi32, #tpu.memory_space<vmem>> -> memref<2048xi32, #tpu.memory_space<vmem>>
      %dma_wait3A_116 = arith.constant 0 : i32
      %dma_wait3A_117 = tpu.memref_slice %arg2[%dma_wait3A_116] : memref<2000000xi32, #tpu.memory_space<hbm>> -> memref<2048xi32, #tpu.memory_space<hbm>>
      tpu.wait_dma2 semaphore(%arg20 : memref<!tpu.dma_semaphore, #tpu.memory_space<semaphore_mem>>) src(%dma_wait3A_117 : memref<2048xi32, #tpu.memory_space<hbm>>) dst(%dma_wait3A_115 : memref<2048xi32, #tpu.memory_space<vmem>>)
      %dma_wait3A_118 = arith.constant 0 : i32
      %dma_wait3A_119 = tpu.memref_slice %arg13[%dma_wait3A_118] : memref<4096xf32, #tpu.memory_space<vmem>> -> memref<2048xf32, #tpu.memory_space<vmem>>
      %dma_wait3A_120 = arith.constant 0 : i32
      %dma_wait3A_121 = tpu.memref_slice %arg2[%dma_wait3A_120] : memref<2000000xi32, #tpu.memory_space<hbm>> -> memref<2048xi32, #tpu.memory_space<hbm>>
      %dma_wait3A_122 = arith.constant 0 : i32
      %dma_wait3A_123 = tpu.memref_slice %arg13[%dma_wait3A_122] : memref<4096xf32, #tpu.memory_space<vmem>> -> memref<2048xf32, #tpu.memory_space<vmem>>
      %dma_wait3A_124 = arith.constant 0 : i32
      %dma_wait3A_125 = tpu.memref_slice %arg2[%dma_wait3A_124] : memref<2000000xi32, #tpu.memory_space<hbm>> -> memref<2048xi32, #tpu.memory_space<hbm>>
      tpu.wait_dma2 semaphore(%arg20 : memref<!tpu.dma_semaphore, #tpu.memory_space<semaphore_mem>>) src(%dma_wait3A_125 : memref<2048xi32, #tpu.memory_space<hbm>>) dst(%dma_wait3A_123 : memref<2048xf32, #tpu.memory_space<vmem>>)
      %scan3A_126 = arith.constant 0 : i32
      %scan3A_127 = arith.constant 0 : i32
      %scan3A_128 = arith.constant 32 : i32
      %scan3A_129 = arith.addi %scan3A_127, %scan3A_128 : i32
      %scan3A_130 = arith.constant 1 : i32
      scf.for %scan3A_145 = %scan3A_127 to %scan3A_129 step %scan3A_130  : i32 {
        %mul3A_146 = arith.constant 64 : i32
        %mul3A_147 = arith.muli %scan3A_145, %mul3A_146 : i32
        %add3A_148 = arith.constant 0 : i32
        %add3A_149 = arith.addi %mul3A_147, %add3A_148 : i32
        %add3A_150 = arith.constant 0 : i32
        %add3A_151 = arith.addi %add3A_150, %add3A_149 : i32
        %get3A_152 = arith.index_cast %add3A_151 : i32 to index
        %get3A_153 = tpu.vector_load %arg11[%get3A_152] {strides = array<i32>} : memref<4096xi32, #tpu.memory_space<vmem>>, vector<16xi32>,
        %get3A_154 = vector.shape_cast %get3A_153 : vector<16xi32> to vector<16xi32>
        %add3A_155 = arith.constant 0 : i32
        %add3A_156 = arith.addi %add3A_155, %add3A_149 : i32
        %get3A_157 = arith.index_cast %add3A_156 : i32 to index
        %get3A_158 = tpu.vector_load %arg12[%get3A_157] {strides = array<i32>} : memref<4096xi32, #tpu.memory_space<vmem>>, vector<16xi32>,
        %get3A_159 = vector.shape_cast %get3A_158 : vector<16xi32> to vector<16xi32>
        %sub3A = vector.broadcast %mul3A_0 : i32 to vector<16xi32>
        %sub3A_160 = arith.subi %get3A_154, %sub3A : vector<16xi32>
        %ge3A_161 = arith.constant 0 : i32
        %ge3A_162 = vector.broadcast %ge3A_161 : i32 to vector<16xi32>
        %ge3A_163 = arith.cmpi sge, %sub3A_160, %ge3A_162 : vector<16xi32>
        %lt3A_164 = arith.constant 500000 : i32
        %lt3A_165 = vector.broadcast %lt3A_164 : i32 to vector<16xi32>
        %lt3A_166 = arith.cmpi slt, %sub3A_160, %lt3A_165 : vector<16xi32>
        %and3A = arith.andi %ge3A_163, %lt3A_166 : vector<16xi1>
        %mul3A_167 = arith.constant 500000 : i32
        %mul3A_168 = vector.broadcast %mul3A_167 : i32 to vector<16xi32>
        %mul3A_169 = arith.muli %get3A_159, %mul3A_168 : vector<16xi32>
        %add3A_170 = arith.addi %mul3A_169, %sub3A_160 : vector<16xi32>
        %and3A_171 = arith.constant 8191 : i32
        %and3A_172 = arith.andi %add3A_149, %and3A_171 : i32
        %add3A_173 = vector.broadcast %and3A_172 : i32 to vector<16xi32>
        %add3A_174 = arith.addi %add3A_173, %iota3A : vector<16xi32>
        %add3A_175 = arith.constant 1500000 : i32
        %add3A_176 = vector.broadcast %add3A_175 : i32 to vector<16xi32>
        %add3A_177 = arith.addi %add3A_176, %add3A_174 : vector<16xi32>
        %select_n3A = arith.select %and3A, %add3A_170, %add3A_177 : vector<16xi1>, vector<16xi32>
        %swap3A = arith.index_cast %add3A_149 : i32 to index
        %swap3A_178 = tpu.vector_load %arg14[%swap3A] {strides = array<i32>} : memref<2048xi32, #tpu.memory_space<vmem>>, vector<16xi32>,
        %swap3A_179 = vector.shape_cast %swap3A_178 : vector<16xi32> to vector<16xi32>
        %swap3A_180 = vector.shape_cast %select_n3A : vector<16xi32> to vector<16xi32>
        tpu.vector_store %arg14[%swap3A], %swap3A_180 {strides = array<i32>} : memref<2048xi32, #tpu.memory_space<vmem>>, vector<16xi32>,
        %mul3A_181 = arith.constant 64 : i32
        %mul3A_182 = arith.muli %scan3A_145, %mul3A_181 : i32
        %add3A_183 = arith.constant 16 : i32
        %add3A_184 = arith.addi %mul3A_182, %add3A_183 : i32
        %add3A_185 = arith.constant 0 : i32
        %add3A_186 = arith.addi %add3A_185, %add3A_184 : i32
        %get3A_187 = arith.index_cast %add3A_186 : i32 to index
        %get3A_188 = tpu.vector_load %arg11[%get3A_187] {strides = array<i32>} : memref<4096xi32, #tpu.memory_space<vmem>>, vector<16xi32>,
        %get3A_189 = vector.shape_cast %get3A_188 : vector<16xi32> to vector<16xi32>
        %add3A_190 = arith.constant 0 : i32
        %add3A_191 = arith.addi %add3A_190, %add3A_184 : i32
        %get3A_192 = arith.index_cast %add3A_191 : i32 to index
        %get3A_193 = tpu.vector_load %arg12[%get3A_192] {strides = array<i32>} : memref<4096xi32, #tpu.memory_space<vmem>>, vector<16xi32>,
        %get3A_194 = vector.shape_cast %get3A_193 : vector<16xi32> to vector<16xi32>
        %sub3A_195 = vector.broadcast %mul3A_0 : i32 to vector<16xi32>
        %sub3A_196 = arith.subi %get3A_189, %sub3A_195 : vector<16xi32>
        %ge3A_197 = arith.constant 0 : i32
        %ge3A_198 = vector.broadcast %ge3A_197 : i32 to vector<16xi32>
        %ge3A_199 = arith.cmpi sge, %sub3A_196, %ge3A_198 : vector<16xi32>
        %lt3A_200 = arith.constant 500000 : i32
        %lt3A_201 = vector.broadcast %lt3A_200 : i32 to vector<16xi32>
        %lt3A_202 = arith.cmpi slt, %sub3A_196, %lt3A_201 : vector<16xi32>
        %and3A_203 = arith.andi %ge3A_199, %lt3A_202 : vector<16xi1>
        %mul3A_204 = arith.constant 500000 : i32
        %mul3A_205 = vector.broadcast %mul3A_204 : i32 to vector<16xi32>
        %mul3A_206 = arith.muli %get3A_194, %mul3A_205 : vector<16xi32>
        %add3A_207 = arith.addi %mul3A_206, %sub3A_196 : vector<16xi32>
        %and3A_208 = arith.constant 8191 : i32
        %and3A_209 = arith.andi %add3A_184, %and3A_208 : i32
        %add3A_210 = vector.broadcast %and3A_209 : i32 to vector<16xi32>
        %add3A_211 = arith.addi %add3A_210, %iota3A : vector<16xi32>
        %add3A_212 = arith.constant 1500000 : i32
        %add3A_213 = vector.broadcast %add3A_212 : i32 to vector<16xi32>
        %add3A_214 = arith.addi %add3A_213, %add3A_211 : vector<16xi32>
        %select_n3A_215 = arith.select %and3A_203, %add3A_207, %add3A_214 : vector<16xi1>, vector<16xi32>
        %swap3A_216 = arith.index_cast %add3A_184 : i32 to index
        %swap3A_217 = tpu.vector_load %arg14[%swap3A_216] {strides = array<i32>} : memref<2048xi32, #tpu.memory_space<vmem>>, vector<16xi32>,
        %swap3A_218 = vector.shape_cast %swap3A_217 : vector<16xi32> to vector<16xi32>
        %swap3A_219 = vector.shape_cast %select_n3A_215 : vector<16xi32> to vector<16xi32>
        tpu.vector_store %arg14[%swap3A_216], %swap3A_219 {strides = array<i32>} : memref<2048xi32, #tpu.memory_space<vmem>>, vector<16xi32>,
        %mul3A_220 = arith.constant 64 : i32
        %mul3A_221 = arith.muli %scan3A_145, %mul3A_220 : i32
        %add3A_222 = arith.constant 32 : i32
        %add3A_223 = arith.addi %mul3A_221, %add3A_222 : i32
        %add3A_224 = arith.constant 0 : i32
        %add3A_225 = arith.addi %add3A_224, %add3A_223 : i32
        %get3A_226 = arith.index_cast %add3A_225 : i32 to index
        %get3A_227 = tpu.vector_load %arg11[%get3A_226] {strides = array<i32>} : memref<4096xi32, #tpu.memory_space<vmem>>, vector<16xi32>,
        %get3A_228 = vector.shape_cast %get3A_227 : vector<16xi32> to vector<16xi32>
        %add3A_229 = arith.constant 0 : i32
        %add3A_230 = arith.addi %add3A_229, %add3A_223 : i32
        %get3A_231 = arith.index_cast %add3A_230 : i32 to index
        %get3A_232 = tpu.vector_load %arg12[%get3A_231] {strides = array<i32>} : memref<4096xi32, #tpu.memory_space<vmem>>, vector<16xi32>,
        %get3A_233 = vector.shape_cast %get3A_232 : vector<16xi32> to vector<16xi32>
        %sub3A_234 = vector.broadcast %mul3A_0 : i32 to vector<16xi32>
        %sub3A_235 = arith.subi %get3A_228, %sub3A_234 : vector<16xi32>
        %ge3A_236 = arith.constant 0 : i32
        %ge3A_237 = vector.broadcast %ge3A_236 : i32 to vector<16xi32>
        %ge3A_238 = arith.cmpi sge, %sub3A_235, %ge3A_237 : vector<16xi32>
        %lt3A_239 = arith.constant 500000 : i32
        %lt3A_240 = vector.broadcast %lt3A_239 : i32 to vector<16xi32>
        %lt3A_241 = arith.cmpi slt, %sub3A_235, %lt3A_240 : vector<16xi32>
        %and3A_242 = arith.andi %ge3A_238, %lt3A_241 : vector<16xi1>
        %mul3A_243 = arith.constant 500000 : i32
        %mul3A_244 = vector.broadcast %mul3A_243 : i32 to vector<16xi32>
        %mul3A_245 = arith.muli %get3A_233, %mul3A_244 : vector<16xi32>
        %add3A_246 = arith.addi %mul3A_245, %sub3A_235 : vector<16xi32>
        %and3A_247 = arith.constant 8191 : i32
        %and3A_248 = arith.andi %add3A_223, %and3A_247 : i32
        %add3A_249 = vector.broadcast %and3A_248 : i32 to vector<16xi32>
        %add3A_250 = arith.addi %add3A_249, %iota3A : vector<16xi32>
        %add3A_251 = arith.constant 1500000 : i32
        %add3A_252 = vector.broadcast %add3A_251 : i32 to vector<16xi32>
        %add3A_253 = arith.addi %add3A_252, %add3A_250 : vector<16xi32>
        %select_n3A_254 = arith.select %and3A_242, %add3A_246, %add3A_253 : vector<16xi1>, vector<16xi32>
        %swap3A_255 = arith.index_cast %add3A_223 : i32 to index
        %swap3A_256 = tpu.vector_load %arg14[%swap3A_255] {strides = array<i32>} : memref<2048xi32, #tpu.memory_space<vmem>>, vector<16xi32>,
        %swap3A_257 = vector.shape_cast %swap3A_256 : vector<16xi32> to vector<16xi32>
        %swap3A_258 = vector.shape_cast %select_n3A_254 : vector<16xi32> to vector<16xi32>
        tpu.vector_store %arg14[%swap3A_255], %swap3A_258 {strides = array<i32>} : memref<2048xi32, #tpu.memory_space<vmem>>, vector<16xi32>,
        %mul3A_259 = arith.constant 64 : i32
        %mul3A_260 = arith.muli %scan3A_145, %mul3A_259 : i32
        %add3A_261 = arith.constant 48 : i32
        %add3A_262 = arith.addi %mul3A_260, %add3A_261 : i32
        %add3A_263 = arith.constant 0 : i32
        %add3A_264 = arith.addi %add3A_263, %add3A_262 : i32
        %get3A_265 = arith.index_cast %add3A_264 : i32 to index
        %get3A_266 = tpu.vector_load %arg11[%get3A_265] {strides = array<i32>} : memref<4096xi32, #tpu.memory_space<vmem>>, vector<16xi32>,
        %get3A_267 = vector.shape_cast %get3A_266 : vector<16xi32> to vector<16xi32>
        %add3A_268 = arith.constant 0 : i32
        %add3A_269 = arith.addi %add3A_268, %add3A_262 : i32
        %get3A_270 = arith.index_cast %add3A_269 : i32 to index
        %get3A_271 = tpu.vector_load %arg12[%get3A_270] {strides = array<i32>} : memref<4096xi32, #tpu.memory_space<vmem>>, vector<16xi32>,
        %get3A_272 = vector.shape_cast %get3A_271 : vector<16xi32> to vector<16xi32>
        %sub3A_273 = vector.broadcast %mul3A_0 : i32 to vector<16xi32>
        %sub3A_274 = arith.subi %get3A_267, %sub3A_273 : vector<16xi32>
        %ge3A_275 = arith.constant 0 : i32
        %ge3A_276 = vector.broadcast %ge3A_275 : i32 to vector<16xi32>
        %ge3A_277 = arith.cmpi sge, %sub3A_274, %ge3A_276 : vector<16xi32>
        %lt3A_278 = arith.constant 500000 : i32
        %lt3A_279 = vector.broadcast %lt3A_278 : i32 to vector<16xi32>
        %lt3A_280 = arith.cmpi slt, %sub3A_274, %lt3A_279 : vector<16xi32>
        %and3A_281 = arith.andi %ge3A_277, %lt3A_280 : vector<16xi1>
        %mul3A_282 = arith.constant 500000 : i32
        %mul3A_283 = vector.broadcast %mul3A_282 : i32 to vector<16xi32>
        %mul3A_284 = arith.muli %get3A_272, %mul3A_283 : vector<16xi32>
        %add3A_285 = arith.addi %mul3A_284, %sub3A_274 : vector<16xi32>
        %and3A_286 = arith.constant 8191 : i32
        %and3A_287 = arith.andi %add3A_262, %and3A_286 : i32
        %add3A_288 = vector.broadcast %and3A_287 : i32 to vector<16xi32>
        %add3A_289 = arith.addi %add3A_288, %iota3A : vector<16xi32>
        %add3A_290 = arith.constant 1500000 : i32
        %add3A_291 = vector.broadcast %add3A_290 : i32 to vector<16xi32>
        %add3A_292 = arith.addi %add3A_291, %add3A_289 : vector<16xi32>
        %select_n3A_293 = arith.select %and3A_281, %add3A_285, %add3A_292 : vector<16xi1>, vector<16xi32>
        %swap3A_294 = arith.index_cast %add3A_262 : i32 to index
        %swap3A_295 = tpu.vector_load %arg14[%swap3A_294] {strides = array<i32>} : memref<2048xi32, #tpu.memory_space<vmem>>, vector<16xi32>,
        %swap3A_296 = vector.shape_cast %swap3A_295 : vector<16xi32> to vector<16xi32>
        %swap3A_297 = vector.shape_cast %select_n3A_293 : vector<16xi32> to vector<16xi32>
        tpu.vector_store %arg14[%swap3A_294], %swap3A_297 {strides = array<i32>} : memref<2048xi32, #tpu.memory_space<vmem>>, vector<16xi32>,
      }
      %scan3A_131 = arith.constant 32 : i32
      %dma_start3A_132 = arith.constant 0 : i32
      %dma_start3A_133 = tpu.memref_slice %arg13[%dma_start3A_132] : memref<4096xf32, #tpu.memory_space<vmem>> -> memref<2048xf32, #tpu.memory_space<vmem>>
      %dma_start3A_134 = arith.constant 0 : i32
      %dma_start3A_135 = tpu.memref_slice %arg9[%dma_start3A_134] : memref<1509376xf32, #tpu.memory_space<vmem_shared>> -> memref<1509376xf32, #tpu.memory_space<vmem_shared>>
      tpu.enqueue_indirect_dma source(%dma_start3A_133 : memref<2048xf32, #tpu.memory_space<vmem>>) target(%dma_start3A_135 : memref<1509376xf32, #tpu.memory_space<vmem_shared>>) offsets(%arg14 : memref<2048xi32, #tpu.memory_space<vmem>>) semaphore(%arg22 : memref<!tpu.dma_semaphore, #tpu.memory_space<semaphore_mem>>) {add = true}
      %lt3A_136 = arith.constant 976 : i32
      %lt3A_137 = arith.cmpi slt, %add3A_91, %lt3A_136 : i32
      %convert_element_type3A_138 = arith.extui %lt3A_137 : i1 to i32
      %cond3A_139 = arith.constant 0 : i32
      %cond3A_140 = arith.cmpi ne, %convert_element_type3A_138, %cond3A_139 : i32
      scf.if %cond3A_140 {
        %dma_wait3A_145 = arith.constant 2048 : i32
        %dma_wait3A_146 = tpu.memref_slice %arg11[%dma_wait3A_145] : memref<4096xi32, #tpu.memory_space<vmem>> -> memref<2048xi32, #tpu.memory_space<vmem>>
        %dma_wait3A_147 = arith.constant 0 : i32
        %dma_wait3A_148 = tpu.memref_slice %arg2[%dma_wait3A_147] : memref<2000000xi32, #tpu.memory_space<hbm>> -> memref<2048xi32, #tpu.memory_space<hbm>>
        %dma_wait3A_149 = arith.constant 2048 : i32
        %dma_wait3A_150 = tpu.memref_slice %arg11[%dma_wait3A_149] : memref<4096xi32, #tpu.memory_space<vmem>> -> memref<2048xi32, #tpu.memory_space<vmem>>
        %dma_wait3A_151 = arith.constant 0 : i32
        %dma_wait3A_152 = tpu.memref_slice %arg2[%dma_wait3A_151] : memref<2000000xi32, #tpu.memory_space<hbm>> -> memref<2048xi32, #tpu.memory_space<hbm>>
        tpu.wait_dma2 semaphore(%arg21 : memref<!tpu.dma_semaphore, #tpu.memory_space<semaphore_mem>>) src(%dma_wait3A_152 : memref<2048xi32, #tpu.memory_space<hbm>>) dst(%dma_wait3A_150 : memref<2048xi32, #tpu.memory_space<vmem>>)
        %dma_wait3A_153 = arith.constant 2048 : i32
        %dma_wait3A_154 = tpu.memref_slice %arg12[%dma_wait3A_153] : memref<4096xi32, #tpu.memory_space<vmem>> -> memref<2048xi32, #tpu.memory_space<vmem>>
        %dma_wait3A_155 = arith.constant 0 : i32
        %dma_wait3A_156 = tpu.memref_slice %arg2[%dma_wait3A_155] : memref<2000000xi32, #tpu.memory_space<hbm>> -> memref<2048xi32, #tpu.memory_space<hbm>>
        %dma_wait3A_157 = arith.constant 2048 : i32
        %dma_wait3A_158 = tpu.memref_slice %arg12[%dma_wait3A_157] : memref<4096xi32, #tpu.memory_space<vmem>> -> memref<2048xi32, #tpu.memory_space<vmem>>
        %dma_wait3A_159 = arith.constant 0 : i32
        %dma_wait3A_160 = tpu.memref_slice %arg2[%dma_wait3A_159] : memref<2000000xi32, #tpu.memory_space<hbm>> -> memref<2048xi32, #tpu.memory_space<hbm>>
        tpu.wait_dma2 semaphore(%arg21 : memref<!tpu.dma_semaphore, #tpu.memory_space<semaphore_mem>>) src(%dma_wait3A_160 : memref<2048xi32, #tpu.memory_space<hbm>>) dst(%dma_wait3A_158 : memref<2048xi32, #tpu.memory_space<vmem>>)
        %dma_wait3A_161 = arith.constant 2048 : i32
        %dma_wait3A_162 = tpu.memref_slice %arg13[%dma_wait3A_161] : memref<4096xf32, #tpu.memory_space<vmem>> -> memref<2048xf32, #tpu.memory_space<vmem>>
        %dma_wait3A_163 = arith.constant 0 : i32
        %dma_wait3A_164 = tpu.memref_slice %arg2[%dma_wait3A_163] : memref<2000000xi32, #tpu.memory_space<hbm>> -> memref<2048xi32, #tpu.memory_space<hbm>>
        %dma_wait3A_165 = arith.constant 2048 : i32
        %dma_wait3A_166 = tpu.memref_slice %arg13[%dma_wait3A_165] : memref<4096xf32, #tpu.memory_space<vmem>> -> memref<2048xf32, #tpu.memory_space<vmem>>
        %dma_wait3A_167 = arith.constant 0 : i32
        %dma_wait3A_168 = tpu.memref_slice %arg2[%dma_wait3A_167] : memref<2000000xi32, #tpu.memory_space<hbm>> -> memref<2048xi32, #tpu.memory_space<hbm>>
        tpu.wait_dma2 semaphore(%arg21 : memref<!tpu.dma_semaphore, #tpu.memory_space<semaphore_mem>>) src(%dma_wait3A_168 : memref<2048xi32, #tpu.memory_space<hbm>>) dst(%dma_wait3A_166 : memref<2048xf32, #tpu.memory_space<vmem>>)
        %scan3A_169 = arith.constant 0 : i32
        %scan3A_170 = arith.constant 0 : i32
        %scan3A_171 = arith.constant 32 : i32
        %scan3A_172 = arith.addi %scan3A_170, %scan3A_171 : i32
        %scan3A_173 = arith.constant 1 : i32
        scf.for %scan3A_188 = %scan3A_170 to %scan3A_172 step %scan3A_173  : i32 {
          %mul3A_189 = arith.constant 64 : i32
          %mul3A_190 = arith.muli %scan3A_188, %mul3A_189 : i32
          %add3A_191 = arith.constant 0 : i32
          %add3A_192 = arith.addi %mul3A_190, %add3A_191 : i32
          %add3A_193 = arith.constant 2048 : i32
          %add3A_194 = arith.addi %add3A_193, %add3A_192 : i32
          %get3A_195 = arith.index_cast %add3A_194 : i32 to index
          %get3A_196 = tpu.vector_load %arg11[%get3A_195] {strides = array<i32>} : memref<4096xi32, #tpu.memory_space<vmem>>, vector<16xi32>,
          %get3A_197 = vector.shape_cast %get3A_196 : vector<16xi32> to vector<16xi32>
          %add3A_198 = arith.constant 2048 : i32
          %add3A_199 = arith.addi %add3A_198, %add3A_192 : i32
          %get3A_200 = arith.index_cast %add3A_199 : i32 to index
          %get3A_201 = tpu.vector_load %arg12[%get3A_200] {strides = array<i32>} : memref<4096xi32, #tpu.memory_space<vmem>>, vector<16xi32>,
          %get3A_202 = vector.shape_cast %get3A_201 : vector<16xi32> to vector<16xi32>
          %sub3A = vector.broadcast %mul3A_0 : i32 to vector<16xi32>
          %sub3A_203 = arith.subi %get3A_197, %sub3A : vector<16xi32>
          %ge3A_204 = arith.constant 0 : i32
          %ge3A_205 = vector.broadcast %ge3A_204 : i32 to vector<16xi32>
          %ge3A_206 = arith.cmpi sge, %sub3A_203, %ge3A_205 : vector<16xi32>
          %lt3A_207 = arith.constant 500000 : i32
          %lt3A_208 = vector.broadcast %lt3A_207 : i32 to vector<16xi32>
          %lt3A_209 = arith.cmpi slt, %sub3A_203, %lt3A_208 : vector<16xi32>
          %and3A = arith.andi %ge3A_206, %lt3A_209 : vector<16xi1>
          %mul3A_210 = arith.constant 500000 : i32
          %mul3A_211 = vector.broadcast %mul3A_210 : i32 to vector<16xi32>
          %mul3A_212 = arith.muli %get3A_202, %mul3A_211 : vector<16xi32>
          %add3A_213 = arith.addi %mul3A_212, %sub3A_203 : vector<16xi32>
          %and3A_214 = arith.constant 8191 : i32
          %and3A_215 = arith.andi %add3A_192, %and3A_214 : i32
          %add3A_216 = vector.broadcast %and3A_215 : i32 to vector<16xi32>
          %add3A_217 = arith.addi %add3A_216, %iota3A : vector<16xi32>
          %add3A_218 = arith.constant 1500000 : i32
          %add3A_219 = vector.broadcast %add3A_218 : i32 to vector<16xi32>
          %add3A_220 = arith.addi %add3A_219, %add3A_217 : vector<16xi32>
          %select_n3A = arith.select %and3A, %add3A_213, %add3A_220 : vector<16xi1>, vector<16xi32>
          %swap3A = arith.index_cast %add3A_192 : i32 to index
          %swap3A_221 = tpu.vector_load %arg15[%swap3A] {strides = array<i32>} : memref<2048xi32, #tpu.memory_space<vmem>>, vector<16xi32>,
          %swap3A_222 = vector.shape_cast %swap3A_221 : vector<16xi32> to vector<16xi32>
          %swap3A_223 = vector.shape_cast %select_n3A : vector<16xi32> to vector<16xi32>
          tpu.vector_store %arg15[%swap3A], %swap3A_223 {strides = array<i32>} : memref<2048xi32, #tpu.memory_space<vmem>>, vector<16xi32>,
          %mul3A_224 = arith.constant 64 : i32
          %mul3A_225 = arith.muli %scan3A_188, %mul3A_224 : i32
          %add3A_226 = arith.constant 16 : i32
          %add3A_227 = arith.addi %mul3A_225, %add3A_226 : i32
          %add3A_228 = arith.constant 2048 : i32
          %add3A_229 = arith.addi %add3A_228, %add3A_227 : i32
          %get3A_230 = arith.index_cast %add3A_229 : i32 to index
          %get3A_231 = tpu.vector_load %arg11[%get3A_230] {strides = array<i32>} : memref<4096xi32, #tpu.memory_space<vmem>>, vector<16xi32>,
          %get3A_232 = vector.shape_cast %get3A_231 : vector<16xi32> to vector<16xi32>
          %add3A_233 = arith.constant 2048 : i32
          %add3A_234 = arith.addi %add3A_233, %add3A_227 : i32
          %get3A_235 = arith.index_cast %add3A_234 : i32 to index
          %get3A_236 = tpu.vector_load %arg12[%get3A_235] {strides = array<i32>} : memref<4096xi32, #tpu.memory_space<vmem>>, vector<16xi32>,
          %get3A_237 = vector.shape_cast %get3A_236 : vector<16xi32> to vector<16xi32>
          %sub3A_238 = vector.broadcast %mul3A_0 : i32 to vector<16xi32>
          %sub3A_239 = arith.subi %get3A_232, %sub3A_238 : vector<16xi32>
          %ge3A_240 = arith.constant 0 : i32
          %ge3A_241 = vector.broadcast %ge3A_240 : i32 to vector<16xi32>
          %ge3A_242 = arith.cmpi sge, %sub3A_239, %ge3A_241 : vector<16xi32>
          %lt3A_243 = arith.constant 500000 : i32
          %lt3A_244 = vector.broadcast %lt3A_243 : i32 to vector<16xi32>
          %lt3A_245 = arith.cmpi slt, %sub3A_239, %lt3A_244 : vector<16xi32>
          %and3A_246 = arith.andi %ge3A_242, %lt3A_245 : vector<16xi1>
          %mul3A_247 = arith.constant 500000 : i32
          %mul3A_248 = vector.broadcast %mul3A_247 : i32 to vector<16xi32>
          %mul3A_249 = arith.muli %get3A_237, %mul3A_248 : vector<16xi32>
          %add3A_250 = arith.addi %mul3A_249, %sub3A_239 : vector<16xi32>
          %and3A_251 = arith.constant 8191 : i32
          %and3A_252 = arith.andi %add3A_227, %and3A_251 : i32
          %add3A_253 = vector.broadcast %and3A_252 : i32 to vector<16xi32>
          %add3A_254 = arith.addi %add3A_253, %iota3A : vector<16xi32>
          %add3A_255 = arith.constant 1500000 : i32
          %add3A_256 = vector.broadcast %add3A_255 : i32 to vector<16xi32>
          %add3A_257 = arith.addi %add3A_256, %add3A_254 : vector<16xi32>
          %select_n3A_258 = arith.select %and3A_246, %add3A_250, %add3A_257 : vector<16xi1>, vector<16xi32>
          %swap3A_259 = arith.index_cast %add3A_227 : i32 to index
          %swap3A_260 = tpu.vector_load %arg15[%swap3A_259] {strides = array<i32>} : memref<2048xi32, #tpu.memory_space<vmem>>, vector<16xi32>,
          %swap3A_261 = vector.shape_cast %swap3A_260 : vector<16xi32> to vector<16xi32>
          %swap3A_262 = vector.shape_cast %select_n3A_258 : vector<16xi32> to vector<16xi32>
          tpu.vector_store %arg15[%swap3A_259], %swap3A_262 {strides = array<i32>} : memref<2048xi32, #tpu.memory_space<vmem>>, vector<16xi32>,
          %mul3A_263 = arith.constant 64 : i32
          %mul3A_264 = arith.muli %scan3A_188, %mul3A_263 : i32
          %add3A_265 = arith.constant 32 : i32
          %add3A_266 = arith.addi %mul3A_264, %add3A_265 : i32
          %add3A_267 = arith.constant 2048 : i32
          %add3A_268 = arith.addi %add3A_267, %add3A_266 : i32
          %get3A_269 = arith.index_cast %add3A_268 : i32 to index
          %get3A_270 = tpu.vector_load %arg11[%get3A_269] {strides = array<i32>} : memref<4096xi32, #tpu.memory_space<vmem>>, vector<16xi32>,
          %get3A_271 = vector.shape_cast %get3A_270 : vector<16xi32> to vector<16xi32>
          %add3A_272 = arith.constant 2048 : i32
          %add3A_273 = arith.addi %add3A_272, %add3A_266 : i32
          %get3A_274 = arith.index_cast %add3A_273 : i32 to index
          %get3A_275 = tpu.vector_load %arg12[%get3A_274] {strides = array<i32>} : memref<4096xi32, #tpu.memory_space<vmem>>, vector<16xi32>,
          %get3A_276 = vector.shape_cast %get3A_275 : vector<16xi32> to vector<16xi32>
          %sub3A_277 = vector.broadcast %mul3A_0 : i32 to vector<16xi32>
          %sub3A_278 = arith.subi %get3A_271, %sub3A_277 : vector<16xi32>
          %ge3A_279 = arith.constant 0 : i32
          %ge3A_280 = vector.broadcast %ge3A_279 : i32 to vector<16xi32>
          %ge3A_281 = arith.cmpi sge, %sub3A_278, %ge3A_280 : vector<16xi32>
          %lt3A_282 = arith.constant 500000 : i32
          %lt3A_283 = vector.broadcast %lt3A_282 : i32 to vector<16xi32>
          %lt3A_284 = arith.cmpi slt, %sub3A_278, %lt3A_283 : vector<16xi32>
          %and3A_285 = arith.andi %ge3A_281, %lt3A_284 : vector<16xi1>
          %mul3A_286 = arith.constant 500000 : i32
          %mul3A_287 = vector.broadcast %mul3A_286 : i32 to vector<16xi32>
          %mul3A_288 = arith.muli %get3A_276, %mul3A_287 : vector<16xi32>
          %add3A_289 = arith.addi %mul3A_288, %sub3A_278 : vector<16xi32>
          %and3A_290 = arith.constant 8191 : i32
          %and3A_291 = arith.andi %add3A_266, %and3A_290 : i32
          %add3A_292 = vector.broadcast %and3A_291 : i32 to vector<16xi32>
          %add3A_293 = arith.addi %add3A_292, %iota3A : vector<16xi32>
          %add3A_294 = arith.constant 1500000 : i32
          %add3A_295 = vector.broadcast %add3A_294 : i32 to vector<16xi32>
          %add3A_296 = arith.addi %add3A_295, %add3A_293 : vector<16xi32>
          %select_n3A_297 = arith.select %and3A_285, %add3A_289, %add3A_296 : vector<16xi1>, vector<16xi32>
          %swap3A_298 = arith.index_cast %add3A_266 : i32 to index
          %swap3A_299 = tpu.vector_load %arg15[%swap3A_298] {strides = array<i32>} : memref<2048xi32, #tpu.memory_space<vmem>>, vector<16xi32>,
          %swap3A_300 = vector.shape_cast %swap3A_299 : vector<16xi32> to vector<16xi32>
          %swap3A_301 = vector.shape_cast %select_n3A_297 : vector<16xi32> to vector<16xi32>
          tpu.vector_store %arg15[%swap3A_298], %swap3A_301 {strides = array<i32>} : memref<2048xi32, #tpu.memory_space<vmem>>, vector<16xi32>,
          %mul3A_302 = arith.constant 64 : i32
          %mul3A_303 = arith.muli %scan3A_188, %mul3A_302 : i32
          %add3A_304 = arith.constant 48 : i32
          %add3A_305 = arith.addi %mul3A_303, %add3A_304 : i32
          %add3A_306 = arith.constant 2048 : i32
          %add3A_307 = arith.addi %add3A_306, %add3A_305 : i32
          %get3A_308 = arith.index_cast %add3A_307 : i32 to index
          %get3A_309 = tpu.vector_load %arg11[%get3A_308] {strides = array<i32>} : memref<4096xi32, #tpu.memory_space<vmem>>, vector<16xi32>,
          %get3A_310 = vector.shape_cast %get3A_309 : vector<16xi32> to vector<16xi32>
          %add3A_311 = arith.constant 2048 : i32
          %add3A_312 = arith.addi %add3A_311, %add3A_305 : i32
          %get3A_313 = arith.index_cast %add3A_312 : i32 to index
          %get3A_314 = tpu.vector_load %arg12[%get3A_313] {strides = array<i32>} : memref<4096xi32, #tpu.memory_space<vmem>>, vector<16xi32>,
          %get3A_315 = vector.shape_cast %get3A_314 : vector<16xi32> to vector<16xi32>
          %sub3A_316 = vector.broadcast %mul3A_0 : i32 to vector<16xi32>
          %sub3A_317 = arith.subi %get3A_310, %sub3A_316 : vector<16xi32>
          %ge3A_318 = arith.constant 0 : i32
          %ge3A_319 = vector.broadcast %ge3A_318 : i32 to vector<16xi32>
          %ge3A_320 = arith.cmpi sge, %sub3A_317, %ge3A_319 : vector<16xi32>
          %lt3A_321 = arith.constant 500000 : i32
          %lt3A_322 = vector.broadcast %lt3A_321 : i32 to vector<16xi32>
          %lt3A_323 = arith.cmpi slt, %sub3A_317, %lt3A_322 : vector<16xi32>
          %and3A_324 = arith.andi %ge3A_320, %lt3A_323 : vector<16xi1>
          %mul3A_325 = arith.constant 500000 : i32
          %mul3A_326 = vector.broadcast %mul3A_325 : i32 to vector<16xi32>
          %mul3A_327 = arith.muli %get3A_315, %mul3A_326 : vector<16xi32>
          %add3A_328 = arith.addi %mul3A_327, %sub3A_317 : vector<16xi32>
          %and3A_329 = arith.constant 8191 : i32
          %and3A_330 = arith.andi %add3A_305, %and3A_329 : i32
          %add3A_331 = vector.broadcast %and3A_330 : i32 to vector<16xi32>
          %add3A_332 = arith.addi %add3A_331, %iota3A : vector<16xi32>
          %add3A_333 = arith.constant 1500000 : i32
          %add3A_334 = vector.broadcast %add3A_333 : i32 to vector<16xi32>
          %add3A_335 = arith.addi %add3A_334, %add3A_332 : vector<16xi32>
          %select_n3A_336 = arith.select %and3A_324, %add3A_328, %add3A_335 : vector<16xi1>, vector<16xi32>
          %swap3A_337 = arith.index_cast %add3A_305 : i32 to index
          %swap3A_338 = tpu.vector_load %arg15[%swap3A_337] {strides = array<i32>} : memref<2048xi32, #tpu.memory_space<vmem>>, vector<16xi32>,
          %swap3A_339 = vector.shape_cast %swap3A_338 : vector<16xi32> to vector<16xi32>
          %swap3A_340 = vector.shape_cast %select_n3A_336 : vector<16xi32> to vector<16xi32>
          tpu.vector_store %arg15[%swap3A_337], %swap3A_340 {strides = array<i32>} : memref<2048xi32, #tpu.memory_space<vmem>>, vector<16xi32>,
        }
        %scan3A_174 = arith.constant 32 : i32
        %dma_wait3A_175 = arith.constant 0 : i32
        %dma_wait3A_176 = tpu.memref_slice %arg13[%dma_wait3A_175] : memref<4096xf32, #tpu.memory_space<vmem>> -> memref<2048xf32, #tpu.memory_space<vmem>>
        %dma_wait3A_177 = arith.constant 0 : i32
        %dma_wait3A_178 = tpu.memref_slice %arg9[%dma_wait3A_177] : memref<1509376xf32, #tpu.memory_space<vmem_shared>> -> memref<1509376xf32, #tpu.memory_space<vmem_shared>>
        tpu.wait_indirect_dma semaphore(%arg22 : memref<!tpu.dma_semaphore, #tpu.memory_space<semaphore_mem>>) src(%dma_wait3A_176 : memref<2048xf32, #tpu.memory_space<vmem>>) dst(%dma_wait3A_178 : memref<1509376xf32, #tpu.memory_space<vmem_shared>>)
        %lt3A_179 = arith.constant 976 : i32
        %lt3A_180 = arith.cmpi slt, %add3A_93, %lt3A_179 : i32
        %convert_element_type3A_181 = arith.extui %lt3A_180 : i1 to i32
        %cond3A_182 = arith.constant 0 : i32
        %cond3A_183 = arith.cmpi ne, %convert_element_type3A_181, %cond3A_182 : i32
        scf.if %cond3A_183 {
          %mul3A_188 = arith.constant 2048 : i32
          %mul3A_189 = arith.muli %add3A_93, %mul3A_188 : i32
          %dma_start3A_190 = arith.constant 0 : i32
          %dma_start3A_191 = tpu.memref_slice %arg11[%dma_start3A_190] : memref<4096xi32, #tpu.memory_space<vmem>> -> memref<2048xi32, #tpu.memory_space<vmem>>
          %dma_start3A_192 = tpu.memref_slice %arg2[%mul3A_189] : memref<2000000xi32, #tpu.memory_space<hbm>> -> memref<2048xi32, #tpu.memory_space<hbm>>
          %dma_start3A_193 = arith.constant 0 : i32
          %dma_start3A_194 = tpu.memref_slice %arg11[%dma_start3A_193] : memref<4096xi32, #tpu.memory_space<vmem>> -> memref<2048xi32, #tpu.memory_space<vmem>>
          %dma_start3A_195 = tpu.memref_slice %arg2[%mul3A_189] : memref<2000000xi32, #tpu.memory_space<hbm>> -> memref<2048xi32, #tpu.memory_space<hbm>>
          tpu.enqueue_dma source(%dma_start3A_195 : memref<2048xi32, #tpu.memory_space<hbm>>) target(%dma_start3A_194 : memref<2048xi32, #tpu.memory_space<vmem>>) target_semaphore(%arg20 : memref<!tpu.dma_semaphore, #tpu.memory_space<semaphore_mem>>)
          %dma_start3A_196 = arith.constant 0 : i32
          %dma_start3A_197 = tpu.memref_slice %arg12[%dma_start3A_196] : memref<4096xi32, #tpu.memory_space<vmem>> -> memref<2048xi32, #tpu.memory_space<vmem>>
          %dma_start3A_198 = tpu.memref_slice %arg3[%mul3A_189] : memref<2000000xi32, #tpu.memory_space<hbm>> -> memref<2048xi32, #tpu.memory_space<hbm>>
          %dma_start3A_199 = arith.constant 0 : i32
          %dma_start3A_200 = tpu.memref_slice %arg12[%dma_start3A_199] : memref<4096xi32, #tpu.memory_space<vmem>> -> memref<2048xi32, #tpu.memory_space<vmem>>
          %dma_start3A_201 = tpu.memref_slice %arg3[%mul3A_189] : memref<2000000xi32, #tpu.memory_space<hbm>> -> memref<2048xi32, #tpu.memory_space<hbm>>
          tpu.enqueue_dma source(%dma_start3A_201 : memref<2048xi32, #tpu.memory_space<hbm>>) target(%dma_start3A_200 : memref<2048xi32, #tpu.memory_space<vmem>>) target_semaphore(%arg20 : memref<!tpu.dma_semaphore, #tpu.memory_space<semaphore_mem>>)
          %dma_start3A_202 = arith.constant 0 : i32
          %dma_start3A_203 = tpu.memref_slice %arg13[%dma_start3A_202] : memref<4096xf32, #tpu.memory_space<vmem>> -> memref<2048xf32, #tpu.memory_space<vmem>>
          %dma_start3A_204 = tpu.memref_slice %arg4[%mul3A_189] : memref<2000000xf32, #tpu.memory_space<hbm>> -> memref<2048xf32, #tpu.memory_space<hbm>>
          %dma_start3A_205 = arith.constant 0 : i32
          %dma_start3A_206 = tpu.memref_slice %arg13[%dma_start3A_205] : memref<4096xf32, #tpu.memory_space<vmem>> -> memref<2048xf32, #tpu.memory_space<vmem>>
          %dma_start3A_207 = tpu.memref_slice %arg4[%mul3A_189] : memref<2000000xf32, #tpu.memory_space<hbm>> -> memref<2048xf32, #tpu.memory_space<hbm>>
          tpu.enqueue_dma source(%dma_start3A_207 : memref<2048xf32, #tpu.memory_space<hbm>>) target(%dma_start3A_206 : memref<2048xf32, #tpu.memory_space<vmem>>) target_semaphore(%arg20 : memref<!tpu.dma_semaphore, #tpu.memory_space<semaphore_mem>>)
        } else {
        }
        %dma_start3A_184 = arith.constant 2048 : i32
        %dma_start3A_185 = tpu.memref_slice %arg13[%dma_start3A_184] : memref<4096xf32, #tpu.memory_space<vmem>> -> memref<2048xf32, #tpu.memory_space<vmem>>
        %dma_start3A_186 = arith.constant 0 : i32
        %dma_start3A_187 = tpu.memref_slice %arg9[%dma_start3A_186] : memref<1509376xf32, #tpu.memory_space<vmem_shared>> -> memref<1509376xf32, #tpu.memory_space<vmem_shared>>
        tpu.enqueue_indirect_dma source(%dma_start3A_185 : memref<2048xf32, #tpu.memory_space<vmem>>) target(%dma_start3A_187 : memref<1509376xf32, #tpu.memory_space<vmem_shared>>) offsets(%arg15 : memref<2048xi32, #tpu.memory_space<vmem>>) semaphore(%arg23 : memref<!tpu.dma_semaphore, #tpu.memory_space<semaphore_mem>>) {add = true}
      } else {
      }
      %ge3A = arith.constant 976 : i32
      %ge3A_141 = arith.cmpi sge, %add3A_91, %ge3A : i32
      %convert_element_type3A_142 = arith.extui %ge3A_141 : i1 to i32
      %cond3A_143 = arith.constant 0 : i32
      %cond3A_144 = arith.cmpi ne, %convert_element_type3A_142, %cond3A_143 : i32
      scf.if %cond3A_144 {
        %dma_wait3A_145 = arith.constant 0 : i32
        %dma_wait3A_146 = tpu.memref_slice %arg13[%dma_wait3A_145] : memref<4096xf32, #tpu.memory_space<vmem>> -> memref<2048xf32, #tpu.memory_space<vmem>>
        %dma_wait3A_147 = arith.constant 0 : i32
        %dma_wait3A_148 = tpu.memref_slice %arg9[%dma_wait3A_147] : memref<1509376xf32, #tpu.memory_space<vmem_shared>> -> memref<1509376xf32, #tpu.memory_space<vmem_shared>>
        tpu.wait_indirect_dma semaphore(%arg22 : memref<!tpu.dma_semaphore, #tpu.memory_space<semaphore_mem>>) src(%dma_wait3A_146 : memref<2048xf32, #tpu.memory_space<vmem>>) dst(%dma_wait3A_148 : memref<1509376xf32, #tpu.memory_space<vmem_shared>>)
      } else {
      }
    }
    %scan3A_42 = arith.constant 31 : i32
    %eq3A = arith.constant 15 : i32
    %eq3A_43 = arith.cmpi eq, %arg1, %eq3A : i32
    %convert_element_type3A = arith.extui %eq3A_43 : i1 to i32
    %cond3A = arith.constant 0 : i32
    %cond3A_44 = arith.cmpi ne, %convert_element_type3A, %cond3A : i32
    scf.if %cond3A_44 {
      "tpu.region"() ({
        %run_scoped3A = tpu.sem_alloc : memref<!tpu.dma_semaphore, #tpu.memory_space<semaphore_mem>>
        %dma_start3A_93 = arith.constant 0 : i32
        %dma_start3A_94 = tpu.memref_slice %arg11[%dma_start3A_93] : memref<4096xi32, #tpu.memory_space<vmem>> -> memref<1152xi32, #tpu.memory_space<vmem>>
        %dma_start3A_95 = arith.constant 1998848 : i32
        %dma_start3A_96 = tpu.memref_slice %arg2[%dma_start3A_95] : memref<2000000xi32, #tpu.memory_space<hbm>> -> memref<1152xi32, #tpu.memory_space<hbm>>
        %dma_start3A_97 = arith.constant 0 : i32
        %dma_start3A_98 = tpu.memref_slice %arg11[%dma_start3A_97] : memref<4096xi32, #tpu.memory_space<vmem>> -> memref<1152xi32, #tpu.memory_space<vmem>>
        %dma_start3A_99 = arith.constant 1998848 : i32
        %dma_start3A_100 = tpu.memref_slice %arg2[%dma_start3A_99] : memref<2000000xi32, #tpu.memory_space<hbm>> -> memref<1152xi32, #tpu.memory_space<hbm>>
        tpu.enqueue_dma source(%dma_start3A_100 : memref<1152xi32, #tpu.memory_space<hbm>>) target(%dma_start3A_98 : memref<1152xi32, #tpu.memory_space<vmem>>) target_semaphore(%run_scoped3A : memref<!tpu.dma_semaphore, #tpu.memory_space<semaphore_mem>>)
        %dma_wait3A = arith.constant 0 : i32
        %dma_wait3A_101 = tpu.memref_slice %arg11[%dma_wait3A] : memref<4096xi32, #tpu.memory_space<vmem>> -> memref<1152xi32, #tpu.memory_space<vmem>>
        %dma_wait3A_102 = arith.constant 1998848 : i32
        %dma_wait3A_103 = tpu.memref_slice %arg2[%dma_wait3A_102] : memref<2000000xi32, #tpu.memory_space<hbm>> -> memref<1152xi32, #tpu.memory_space<hbm>>
        %dma_wait3A_104 = arith.constant 0 : i32
        %dma_wait3A_105 = tpu.memref_slice %arg11[%dma_wait3A_104] : memref<4096xi32, #tpu.memory_space<vmem>> -> memref<1152xi32, #tpu.memory_space<vmem>>
        %dma_wait3A_106 = arith.constant 1998848 : i32
        %dma_wait3A_107 = tpu.memref_slice %arg2[%dma_wait3A_106] : memref<2000000xi32, #tpu.memory_space<hbm>> -> memref<1152xi32, #tpu.memory_space<hbm>>
        tpu.wait_dma2 semaphore(%run_scoped3A : memref<!tpu.dma_semaphore, #tpu.memory_space<semaphore_mem>>) src(%dma_wait3A_107 : memref<1152xi32, #tpu.memory_space<hbm>>) dst(%dma_wait3A_105 : memref<1152xi32, #tpu.memory_space<vmem>>)
        tpu.yield
      }) : () -> ()
      "tpu.region"() ({
        %run_scoped3A = tpu.sem_alloc : memref<!tpu.dma_semaphore, #tpu.memory_space<semaphore_mem>>
        %dma_start3A_93 = arith.constant 0 : i32
        %dma_start3A_94 = tpu.memref_slice %arg12[%dma_start3A_93] : memref<4096xi32, #tpu.memory_space<vmem>> -> memref<1152xi32, #tpu.memory_space<vmem>>
        %dma_start3A_95 = arith.constant 1998848 : i32
        %dma_start3A_96 = tpu.memref_slice %arg3[%dma_start3A_95] : memref<2000000xi32, #tpu.memory_space<hbm>> -> memref<1152xi32, #tpu.memory_space<hbm>>
        %dma_start3A_97 = arith.constant 0 : i32
        %dma_start3A_98 = tpu.memref_slice %arg12[%dma_start3A_97] : memref<4096xi32, #tpu.memory_space<vmem>> -> memref<1152xi32, #tpu.memory_space<vmem>>
        %dma_start3A_99 = arith.constant 1998848 : i32
        %dma_start3A_100 = tpu.memref_slice %arg3[%dma_start3A_99] : memref<2000000xi32, #tpu.memory_space<hbm>> -> memref<1152xi32, #tpu.memory_space<hbm>>
        tpu.enqueue_dma source(%dma_start3A_100 : memref<1152xi32, #tpu.memory_space<hbm>>) target(%dma_start3A_98 : memref<1152xi32, #tpu.memory_space<vmem>>) target_semaphore(%run_scoped3A : memref<!tpu.dma_semaphore, #tpu.memory_space<semaphore_mem>>)
        %dma_wait3A = arith.constant 0 : i32
        %dma_wait3A_101 = tpu.memref_slice %arg12[%dma_wait3A] : memref<4096xi32, #tpu.memory_space<vmem>> -> memref<1152xi32, #tpu.memory_space<vmem>>
        %dma_wait3A_102 = arith.constant 1998848 : i32
        %dma_wait3A_103 = tpu.memref_slice %arg3[%dma_wait3A_102] : memref<2000000xi32, #tpu.memory_space<hbm>> -> memref<1152xi32, #tpu.memory_space<hbm>>
        %dma_wait3A_104 = arith.constant 0 : i32
        %dma_wait3A_105 = tpu.memref_slice %arg12[%dma_wait3A_104] : memref<4096xi32, #tpu.memory_space<vmem>> -> memref<1152xi32, #tpu.memory_space<vmem>>
        %dma_wait3A_106 = arith.constant 1998848 : i32
        %dma_wait3A_107 = tpu.memref_slice %arg3[%dma_wait3A_106] : memref<2000000xi32, #tpu.memory_space<hbm>> -> memref<1152xi32, #tpu.memory_space<hbm>>
        tpu.wait_dma2 semaphore(%run_scoped3A : memref<!tpu.dma_semaphore, #tpu.memory_space<semaphore_mem>>) src(%dma_wait3A_107 : memref<1152xi32, #tpu.memory_space<hbm>>) dst(%dma_wait3A_105 : memref<1152xi32, #tpu.memory_space<vmem>>)
        tpu.yield
      }) : () -> ()
      "tpu.region"() ({
        %run_scoped3A = tpu.sem_alloc : memref<!tpu.dma_semaphore, #tpu.memory_space<semaphore_mem>>
        %dma_start3A_93 = arith.constant 0 : i32
        %dma_start3A_94 = tpu.memref_slice %arg13[%dma_start3A_93] : memref<4096xf32, #tpu.memory_space<vmem>> -> memref<1152xf32, #tpu.memory_space<vmem>>
        %dma_start3A_95 = arith.constant 1998848 : i32
        %dma_start3A_96 = tpu.memref_slice %arg4[%dma_start3A_95] : memref<2000000xf32, #tpu.memory_space<hbm>> -> memref<1152xf32, #tpu.memory_space<hbm>>
        %dma_start3A_97 = arith.constant 0 : i32
        %dma_start3A_98 = tpu.memref_slice %arg13[%dma_start3A_97] : memref<4096xf32, #tpu.memory_space<vmem>> -> memref<1152xf32, #tpu.memory_space<vmem>>
        %dma_start3A_99 = arith.constant 1998848 : i32
        %dma_start3A_100 = tpu.memref_slice %arg4[%dma_start3A_99] : memref<2000000xf32, #tpu.memory_space<hbm>> -> memref<1152xf32, #tpu.memory_space<hbm>>
        tpu.enqueue_dma source(%dma_start3A_100 : memref<1152xf32, #tpu.memory_space<hbm>>) target(%dma_start3A_98 : memref<1152xf32, #tpu.memory_space<vmem>>) target_semaphore(%run_scoped3A : memref<!tpu.dma_semaphore, #tpu.memory_space<semaphore_mem>>)
        %dma_wait3A = arith.constant 0 : i32
        %dma_wait3A_101 = tpu.memref_slice %arg13[%dma_wait3A] : memref<4096xf32, #tpu.memory_space<vmem>> -> memref<1152xf32, #tpu.memory_space<vmem>>
        %dma_wait3A_102 = arith.constant 1998848 : i32
        %dma_wait3A_103 = tpu.memref_slice %arg4[%dma_wait3A_102] : memref<2000000xf32, #tpu.memory_space<hbm>> -> memref<1152xf32, #tpu.memory_space<hbm>>
        %dma_wait3A_104 = arith.constant 0 : i32
        %dma_wait3A_105 = tpu.memref_slice %arg13[%dma_wait3A_104] : memref<4096xf32, #tpu.memory_space<vmem>> -> memref<1152xf32, #tpu.memory_space<vmem>>
        %dma_wait3A_106 = arith.constant 1998848 : i32
        %dma_wait3A_107 = tpu.memref_slice %arg4[%dma_wait3A_106] : memref<2000000xf32, #tpu.memory_space<hbm>> -> memref<1152xf32, #tpu.memory_space<hbm>>
        tpu.wait_dma2 semaphore(%run_scoped3A : memref<!tpu.dma_semaphore, #tpu.memory_space<semaphore_mem>>) src(%dma_wait3A_107 : memref<1152xf32, #tpu.memory_space<hbm>>) dst(%dma_wait3A_105 : memref<1152xf32, #tpu.memory_space<vmem>>)
        tpu.yield
      }) : () -> ()
      %scan3A_87 = arith.constant 0 : i32
      %scan3A_88 = arith.constant 0 : i32
      %scan3A_89 = arith.constant 18 : i32
      %scan3A_90 = arith.addi %scan3A_88, %scan3A_89 : i32
      %scan3A_91 = arith.constant 1 : i32
      scf.for %scan3A_93 = %scan3A_88 to %scan3A_90 step %scan3A_91  : i32 {
        %mul3A_94 = arith.constant 64 : i32
        %mul3A_95 = arith.muli %scan3A_93, %mul3A_94 : i32
        %add3A = arith.constant 0 : i32
        %add3A_96 = arith.addi %mul3A_95, %add3A : i32
        %add3A_97 = arith.constant 0 : i32
        %add3A_98 = arith.addi %add3A_97, %add3A_96 : i32
        %get3A_99 = arith.index_cast %add3A_98 : i32 to index
        %get3A_100 = tpu.vector_load %arg11[%get3A_99] {strides = array<i32>} : memref<4096xi32, #tpu.memory_space<vmem>>, vector<16xi32>,
        %get3A_101 = vector.shape_cast %get3A_100 : vector<16xi32> to vector<16xi32>
        %add3A_102 = arith.constant 0 : i32
        %add3A_103 = arith.addi %add3A_102, %add3A_96 : i32
        %get3A_104 = arith.index_cast %add3A_103 : i32 to index
        %get3A_105 = tpu.vector_load %arg12[%get3A_104] {strides = array<i32>} : memref<4096xi32, #tpu.memory_space<vmem>>, vector<16xi32>,
        %get3A_106 = vector.shape_cast %get3A_105 : vector<16xi32> to vector<16xi32>
        %sub3A = vector.broadcast %mul3A_0 : i32 to vector<16xi32>
        %sub3A_107 = arith.subi %get3A_101, %sub3A : vector<16xi32>
        %ge3A = arith.constant 0 : i32
        %ge3A_108 = vector.broadcast %ge3A : i32 to vector<16xi32>
        %ge3A_109 = arith.cmpi sge, %sub3A_107, %ge3A_108 : vector<16xi32>
        %lt3A_110 = arith.constant 500000 : i32
        %lt3A_111 = vector.broadcast %lt3A_110 : i32 to vector<16xi32>
        %lt3A_112 = arith.cmpi slt, %sub3A_107, %lt3A_111 : vector<16xi32>
        %and3A = arith.andi %ge3A_109, %lt3A_112 : vector<16xi1>
        %mul3A_113 = arith.constant 500000 : i32
        %mul3A_114 = vector.broadcast %mul3A_113 : i32 to vector<16xi32>
        %mul3A_115 = arith.muli %get3A_106, %mul3A_114 : vector<16xi32>
        %add3A_116 = arith.addi %mul3A_115, %sub3A_107 : vector<16xi32>
        %and3A_117 = arith.constant 8191 : i32
        %and3A_118 = arith.andi %add3A_96, %and3A_117 : i32
        %add3A_119 = vector.broadcast %and3A_118 : i32 to vector<16xi32>
        %add3A_120 = arith.addi %add3A_119, %iota3A : vector<16xi32>
        %add3A_121 = arith.constant 1500000 : i32
        %add3A_122 = vector.broadcast %add3A_121 : i32 to vector<16xi32>
        %add3A_123 = arith.addi %add3A_122, %add3A_120 : vector<16xi32>
        %select_n3A = arith.select %and3A, %add3A_116, %add3A_123 : vector<16xi1>, vector<16xi32>
        %swap3A = arith.index_cast %add3A_96 : i32 to index
        %swap3A_124 = tpu.vector_load %arg16[%swap3A] {strides = array<i32>} : memref<1152xi32, #tpu.memory_space<vmem>>, vector<16xi32>,
        %swap3A_125 = vector.shape_cast %swap3A_124 : vector<16xi32> to vector<16xi32>
        %swap3A_126 = vector.shape_cast %select_n3A : vector<16xi32> to vector<16xi32>
        tpu.vector_store %arg16[%swap3A], %swap3A_126 {strides = array<i32>} : memref<1152xi32, #tpu.memory_space<vmem>>, vector<16xi32>,
        %mul3A_127 = arith.constant 64 : i32
        %mul3A_128 = arith.muli %scan3A_93, %mul3A_127 : i32
        %add3A_129 = arith.constant 16 : i32
        %add3A_130 = arith.addi %mul3A_128, %add3A_129 : i32
        %add3A_131 = arith.constant 0 : i32
        %add3A_132 = arith.addi %add3A_131, %add3A_130 : i32
        %get3A_133 = arith.index_cast %add3A_132 : i32 to index
        %get3A_134 = tpu.vector_load %arg11[%get3A_133] {strides = array<i32>} : memref<4096xi32, #tpu.memory_space<vmem>>, vector<16xi32>,
        %get3A_135 = vector.shape_cast %get3A_134 : vector<16xi32> to vector<16xi32>
        %add3A_136 = arith.constant 0 : i32
        %add3A_137 = arith.addi %add3A_136, %add3A_130 : i32
        %get3A_138 = arith.index_cast %add3A_137 : i32 to index
        %get3A_139 = tpu.vector_load %arg12[%get3A_138] {strides = array<i32>} : memref<4096xi32, #tpu.memory_space<vmem>>, vector<16xi32>,
        %get3A_140 = vector.shape_cast %get3A_139 : vector<16xi32> to vector<16xi32>
        %sub3A_141 = vector.broadcast %mul3A_0 : i32 to vector<16xi32>
        %sub3A_142 = arith.subi %get3A_135, %sub3A_141 : vector<16xi32>
        %ge3A_143 = arith.constant 0 : i32
        %ge3A_144 = vector.broadcast %ge3A_143 : i32 to vector<16xi32>
        %ge3A_145 = arith.cmpi sge, %sub3A_142, %ge3A_144 : vector<16xi32>
        %lt3A_146 = arith.constant 500000 : i32
        %lt3A_147 = vector.broadcast %lt3A_146 : i32 to vector<16xi32>
        %lt3A_148 = arith.cmpi slt, %sub3A_142, %lt3A_147 : vector<16xi32>
        %and3A_149 = arith.andi %ge3A_145, %lt3A_148 : vector<16xi1>
        %mul3A_150 = arith.constant 500000 : i32
        %mul3A_151 = vector.broadcast %mul3A_150 : i32 to vector<16xi32>
        %mul3A_152 = arith.muli %get3A_140, %mul3A_151 : vector<16xi32>
        %add3A_153 = arith.addi %mul3A_152, %sub3A_142 : vector<16xi32>
        %and3A_154 = arith.constant 8191 : i32
        %and3A_155 = arith.andi %add3A_130, %and3A_154 : i32
        %add3A_156 = vector.broadcast %and3A_155 : i32 to vector<16xi32>
        %add3A_157 = arith.addi %add3A_156, %iota3A : vector<16xi32>
        %add3A_158 = arith.constant 1500000 : i32
        %add3A_159 = vector.broadcast %add3A_158 : i32 to vector<16xi32>
        %add3A_160 = arith.addi %add3A_159, %add3A_157 : vector<16xi32>
        %select_n3A_161 = arith.select %and3A_149, %add3A_153, %add3A_160 : vector<16xi1>, vector<16xi32>
        %swap3A_162 = arith.index_cast %add3A_130 : i32 to index
        %swap3A_163 = tpu.vector_load %arg16[%swap3A_162] {strides = array<i32>} : memref<1152xi32, #tpu.memory_space<vmem>>, vector<16xi32>,
        %swap3A_164 = vector.shape_cast %swap3A_163 : vector<16xi32> to vector<16xi32>
        %swap3A_165 = vector.shape_cast %select_n3A_161 : vector<16xi32> to vector<16xi32>
        tpu.vector_store %arg16[%swap3A_162], %swap3A_165 {strides = array<i32>} : memref<1152xi32, #tpu.memory_space<vmem>>, vector<16xi32>,
        %mul3A_166 = arith.constant 64 : i32
        %mul3A_167 = arith.muli %scan3A_93, %mul3A_166 : i32
        %add3A_168 = arith.constant 32 : i32
        %add3A_169 = arith.addi %mul3A_167, %add3A_168 : i32
        %add3A_170 = arith.constant 0 : i32
        %add3A_171 = arith.addi %add3A_170, %add3A_169 : i32
        %get3A_172 = arith.index_cast %add3A_171 : i32 to index
        %get3A_173 = tpu.vector_load %arg11[%get3A_172] {strides = array<i32>} : memref<4096xi32, #tpu.memory_space<vmem>>, vector<16xi32>,
        %get3A_174 = vector.shape_cast %get3A_173 : vector<16xi32> to vector<16xi32>
        %add3A_175 = arith.constant 0 : i32
        %add3A_176 = arith.addi %add3A_175, %add3A_169 : i32
        %get3A_177 = arith.index_cast %add3A_176 : i32 to index
        %get3A_178 = tpu.vector_load %arg12[%get3A_177] {strides = array<i32>} : memref<4096xi32, #tpu.memory_space<vmem>>, vector<16xi32>,
        %get3A_179 = vector.shape_cast %get3A_178 : vector<16xi32> to vector<16xi32>
        %sub3A_180 = vector.broadcast %mul3A_0 : i32 to vector<16xi32>
        %sub3A_181 = arith.subi %get3A_174, %sub3A_180 : vector<16xi32>
        %ge3A_182 = arith.constant 0 : i32
        %ge3A_183 = vector.broadcast %ge3A_182 : i32 to vector<16xi32>
        %ge3A_184 = arith.cmpi sge, %sub3A_181, %ge3A_183 : vector<16xi32>
        %lt3A_185 = arith.constant 500000 : i32
        %lt3A_186 = vector.broadcast %lt3A_185 : i32 to vector<16xi32>
        %lt3A_187 = arith.cmpi slt, %sub3A_181, %lt3A_186 : vector<16xi32>
        %and3A_188 = arith.andi %ge3A_184, %lt3A_187 : vector<16xi1>
        %mul3A_189 = arith.constant 500000 : i32
        %mul3A_190 = vector.broadcast %mul3A_189 : i32 to vector<16xi32>
        %mul3A_191 = arith.muli %get3A_179, %mul3A_190 : vector<16xi32>
        %add3A_192 = arith.addi %mul3A_191, %sub3A_181 : vector<16xi32>
        %and3A_193 = arith.constant 8191 : i32
        %and3A_194 = arith.andi %add3A_169, %and3A_193 : i32
        %add3A_195 = vector.broadcast %and3A_194 : i32 to vector<16xi32>
        %add3A_196 = arith.addi %add3A_195, %iota3A : vector<16xi32>
        %add3A_197 = arith.constant 1500000 : i32
        %add3A_198 = vector.broadcast %add3A_197 : i32 to vector<16xi32>
        %add3A_199 = arith.addi %add3A_198, %add3A_196 : vector<16xi32>
        %select_n3A_200 = arith.select %and3A_188, %add3A_192, %add3A_199 : vector<16xi1>, vector<16xi32>
        %swap3A_201 = arith.index_cast %add3A_169 : i32 to index
        %swap3A_202 = tpu.vector_load %arg16[%swap3A_201] {strides = array<i32>} : memref<1152xi32, #tpu.memory_space<vmem>>, vector<16xi32>,
        %swap3A_203 = vector.shape_cast %swap3A_202 : vector<16xi32> to vector<16xi32>
        %swap3A_204 = vector.shape_cast %select_n3A_200 : vector<16xi32> to vector<16xi32>
        tpu.vector_store %arg16[%swap3A_201], %swap3A_204 {strides = array<i32>} : memref<1152xi32, #tpu.memory_space<vmem>>, vector<16xi32>,
        %mul3A_205 = arith.constant 64 : i32
        %mul3A_206 = arith.muli %scan3A_93, %mul3A_205 : i32
        %add3A_207 = arith.constant 48 : i32
        %add3A_208 = arith.addi %mul3A_206, %add3A_207 : i32
        %add3A_209 = arith.constant 0 : i32
        %add3A_210 = arith.addi %add3A_209, %add3A_208 : i32
        %get3A_211 = arith.index_cast %add3A_210 : i32 to index
        %get3A_212 = tpu.vector_load %arg11[%get3A_211] {strides = array<i32>} : memref<4096xi32, #tpu.memory_space<vmem>>, vector<16xi32>,
        %get3A_213 = vector.shape_cast %get3A_212 : vector<16xi32> to vector<16xi32>
        %add3A_214 = arith.constant 0 : i32
        %add3A_215 = arith.addi %add3A_214, %add3A_208 : i32
        %get3A_216 = arith.index_cast %add3A_215 : i32 to index
        %get3A_217 = tpu.vector_load %arg12[%get3A_216] {strides = array<i32>} : memref<4096xi32, #tpu.memory_space<vmem>>, vector<16xi32>,
        %get3A_218 = vector.shape_cast %get3A_217 : vector<16xi32> to vector<16xi32>
        %sub3A_219 = vector.broadcast %mul3A_0 : i32 to vector<16xi32>
        %sub3A_220 = arith.subi %get3A_213, %sub3A_219 : vector<16xi32>
        %ge3A_221 = arith.constant 0 : i32
        %ge3A_222 = vector.broadcast %ge3A_221 : i32 to vector<16xi32>
        %ge3A_223 = arith.cmpi sge, %sub3A_220, %ge3A_222 : vector<16xi32>
        %lt3A_224 = arith.constant 500000 : i32
        %lt3A_225 = vector.broadcast %lt3A_224 : i32 to vector<16xi32>
        %lt3A_226 = arith.cmpi slt, %sub3A_220, %lt3A_225 : vector<16xi32>
        %and3A_227 = arith.andi %ge3A_223, %lt3A_226 : vector<16xi1>
        %mul3A_228 = arith.constant 500000 : i32
        %mul3A_229 = vector.broadcast %mul3A_228 : i32 to vector<16xi32>
        %mul3A_230 = arith.muli %get3A_218, %mul3A_229 : vector<16xi32>
        %add3A_231 = arith.addi %mul3A_230, %sub3A_220 : vector<16xi32>
        %and3A_232 = arith.constant 8191 : i32
        %and3A_233 = arith.andi %add3A_208, %and3A_232 : i32
        %add3A_234 = vector.broadcast %and3A_233 : i32 to vector<16xi32>
        %add3A_235 = arith.addi %add3A_234, %iota3A : vector<16xi32>
        %add3A_236 = arith.constant 1500000 : i32
        %add3A_237 = vector.broadcast %add3A_236 : i32 to vector<16xi32>
        %add3A_238 = arith.addi %add3A_237, %add3A_235 : vector<16xi32>
        %select_n3A_239 = arith.select %and3A_227, %add3A_231, %add3A_238 : vector<16xi1>, vector<16xi32>
        %swap3A_240 = arith.index_cast %add3A_208 : i32 to index
        %swap3A_241 = tpu.vector_load %arg16[%swap3A_240] {strides = array<i32>} : memref<1152xi32, #tpu.memory_space<vmem>>, vector<16xi32>,
        %swap3A_242 = vector.shape_cast %swap3A_241 : vector<16xi32> to vector<16xi32>
        %swap3A_243 = vector.shape_cast %select_n3A_239 : vector<16xi32> to vector<16xi32>
        tpu.vector_store %arg16[%swap3A_240], %swap3A_243 {strides = array<i32>} : memref<1152xi32, #tpu.memory_space<vmem>>, vector<16xi32>,
      }
      %scan3A_92 = arith.constant 18 : i32
      "tpu.region"() ({
        %run_scoped3A = tpu.sem_alloc : memref<!tpu.dma_semaphore, #tpu.memory_space<semaphore_mem>>
        %dma_start3A_93 = arith.constant 0 : i32
        %dma_start3A_94 = tpu.memref_slice %arg13[%dma_start3A_93] : memref<4096xf32, #tpu.memory_space<vmem>> -> memref<1152xf32, #tpu.memory_space<vmem>>
        %dma_start3A_95 = arith.constant 0 : i32
        %dma_start3A_96 = tpu.memref_slice %arg9[%dma_start3A_95] : memref<1509376xf32, #tpu.memory_space<vmem_shared>> -> memref<1509376xf32, #tpu.memory_space<vmem_shared>>
        tpu.enqueue_indirect_dma source(%dma_start3A_94 : memref<1152xf32, #tpu.memory_space<vmem>>) target(%dma_start3A_96 : memref<1509376xf32, #tpu.memory_space<vmem_shared>>) offsets(%arg16 : memref<1152xi32, #tpu.memory_space<vmem>>) semaphore(%run_scoped3A : memref<!tpu.dma_semaphore, #tpu.memory_space<semaphore_mem>>) {add = true}
        %dma_wait3A = arith.constant 0 : i32
        %dma_wait3A_97 = tpu.memref_slice %arg13[%dma_wait3A] : memref<4096xf32, #tpu.memory_space<vmem>> -> memref<1152xf32, #tpu.memory_space<vmem>>
        %dma_wait3A_98 = arith.constant 0 : i32
        %dma_wait3A_99 = tpu.memref_slice %arg9[%dma_wait3A_98] : memref<1509376xf32, #tpu.memory_space<vmem_shared>> -> memref<1509376xf32, #tpu.memory_space<vmem_shared>>
        tpu.wait_indirect_dma semaphore(%run_scoped3A : memref<!tpu.dma_semaphore, #tpu.memory_space<semaphore_mem>>) src(%dma_wait3A_97 : memref<1152xf32, #tpu.memory_space<vmem>>) dst(%dma_wait3A_99 : memref<1509376xf32, #tpu.memory_space<vmem_shared>>)
        tpu.yield
      }) : () -> ()
    } else {
    }
    %barrier3A_45 = arith.constant 0 : index
    tpu.barrier barrier_id(%barrier3A_45)
    "tpu.region"() ({
      %run_scoped3A = tpu.sem_alloc : memref<!tpu.dma_semaphore, #tpu.memory_space<semaphore_mem>>
      tpu.enqueue_dma source(%arg5 : memref<144xf32, #tpu.memory_space<hbm>>) target(%arg17 : memref<144xf32, #tpu.memory_space<vmem>>) target_semaphore(%run_scoped3A : memref<!tpu.dma_semaphore, #tpu.memory_space<semaphore_mem>>)
      tpu.wait_dma2 semaphore(%run_scoped3A : memref<!tpu.dma_semaphore, #tpu.memory_space<semaphore_mem>>) src(%arg5 : memref<144xf32, #tpu.memory_space<hbm>>) dst(%arg17 : memref<144xf32, #tpu.memory_space<vmem>>)
      tpu.yield
    }) : () -> ()
    %get3A = arith.constant 0 : index
    %get3A_46 = tpu.vector_load %arg17[%get3A] {strides = array<i32>} : memref<144xf32, #tpu.memory_space<vmem>>, vector<16xf32>,
    %get3A_47 = vector.shape_cast %get3A_46 : vector<16xf32> to vector<16xf32>
    %get3A_48 = arith.constant 16 : index
    %get3A_49 = tpu.vector_load %arg17[%get3A_48] {strides = array<i32>} : memref<144xf32, #tpu.memory_space<vmem>>, vector<16xf32>,
    %get3A_50 = vector.shape_cast %get3A_49 : vector<16xf32> to vector<16xf32>
    %get3A_51 = arith.constant 32 : index
    %get3A_52 = tpu.vector_load %arg17[%get3A_51] {strides = array<i32>} : memref<144xf32, #tpu.memory_space<vmem>>, vector<16xf32>,
    %get3A_53 = vector.shape_cast %get3A_52 : vector<16xf32> to vector<16xf32>
    %get3A_54 = arith.constant 48 : index
    %get3A_55 = tpu.vector_load %arg17[%get3A_54] {strides = array<i32>} : memref<144xf32, #tpu.memory_space<vmem>>, vector<16xf32>,
    %get3A_56 = vector.shape_cast %get3A_55 : vector<16xf32> to vector<16xf32>
    %get3A_57 = arith.constant 64 : index
    %get3A_58 = tpu.vector_load %arg17[%get3A_57] {strides = array<i32>} : memref<144xf32, #tpu.memory_space<vmem>>, vector<16xf32>,
    %get3A_59 = vector.shape_cast %get3A_58 : vector<16xf32> to vector<16xf32>
    %get3A_60 = arith.constant 80 : index
    %get3A_61 = tpu.vector_load %arg17[%get3A_60] {strides = array<i32>} : memref<144xf32, #tpu.memory_space<vmem>>, vector<16xf32>,
    %get3A_62 = vector.shape_cast %get3A_61 : vector<16xf32> to vector<16xf32>
    %get3A_63 = arith.constant 96 : index
    %get3A_64 = tpu.vector_load %arg17[%get3A_63] {strides = array<i32>} : memref<144xf32, #tpu.memory_space<vmem>>, vector<16xf32>,
    %get3A_65 = vector.shape_cast %get3A_64 : vector<16xf32> to vector<16xf32>
    %get3A_66 = arith.constant 112 : index
    %get3A_67 = tpu.vector_load %arg17[%get3A_66] {strides = array<i32>} : memref<144xf32, #tpu.memory_space<vmem>>, vector<16xf32>,
    %get3A_68 = vector.shape_cast %get3A_67 : vector<16xf32> to vector<16xf32>
    %get3A_69 = arith.constant 128 : index
    %get3A_70 = tpu.vector_load %arg17[%get3A_69] {strides = array<i32>} : memref<144xf32, #tpu.memory_space<vmem>>, vector<16xf32>,
    %get3A_71 = vector.shape_cast %get3A_70 : vector<16xf32> to vector<16xf32>
    %lt3A = arith.constant 488 : i32
    %lt3A_72 = arith.cmpi slt, %arg1, %lt3A : i32
    %convert_element_type3A_73 = arith.extui %lt3A_72 : i1 to i32
    %cond3A_74 = arith.constant 0 : i32
    %cond3A_75 = arith.cmpi ne, %convert_element_type3A_73, %cond3A_74 : i32
    scf.if %cond3A_75 {
      %mul3A_87 = arith.constant 1024 : i32
      %mul3A_88 = arith.muli %arg1, %mul3A_87 : i32
      %add3A = arith.constant 0 : i32
      %add3A_89 = arith.addi %add3A, %mul3A_88 : i32
      %dma_start3A_90 = arith.constant 0 : i32
      %dma_start3A_91 = tpu.memref_slice %arg18[%dma_start3A_90] : memref<6144xf32, #tpu.memory_space<vmem>> -> memref<1024xf32, #tpu.memory_space<vmem>>
      %dma_start3A_92 = tpu.memref_slice %arg9[%add3A_89] : memref<1509376xf32, #tpu.memory_space<vmem_shared>> -> memref<1024xf32, #tpu.memory_space<vmem_shared>>
      %dma_start3A_93 = arith.constant 0 : i32
      %dma_start3A_94 = tpu.memref_slice %arg18[%dma_start3A_93] : memref<6144xf32, #tpu.memory_space<vmem>> -> memref<1024xf32, #tpu.memory_space<vmem>>
      %dma_start3A_95 = tpu.memref_slice %arg9[%add3A_89] : memref<1509376xf32, #tpu.memory_space<vmem_shared>> -> memref<1024xf32, #tpu.memory_space<vmem_shared>>
      tpu.enqueue_dma source(%dma_start3A_95 : memref<1024xf32, #tpu.memory_space<vmem_shared>>) target(%dma_start3A_94 : memref<1024xf32, #tpu.memory_space<vmem>>) target_semaphore(%arg24 : memref<!tpu.dma_semaphore, #tpu.memory_space<semaphore_mem>>)
      %add3A_96 = arith.constant 500000 : i32
      %add3A_97 = arith.addi %add3A_96, %mul3A_88 : i32
      %dma_start3A_98 = arith.constant 1024 : i32
      %dma_start3A_99 = tpu.memref_slice %arg18[%dma_start3A_98] : memref<6144xf32, #tpu.memory_space<vmem>> -> memref<1024xf32, #tpu.memory_space<vmem>>
      %dma_start3A_100 = tpu.memref_slice %arg9[%add3A_97] : memref<1509376xf32, #tpu.memory_space<vmem_shared>> -> memref<1024xf32, #tpu.memory_space<vmem_shared>>
      %dma_start3A_101 = arith.constant 1024 : i32
      %dma_start3A_102 = tpu.memref_slice %arg18[%dma_start3A_101] : memref<6144xf32, #tpu.memory_space<vmem>> -> memref<1024xf32, #tpu.memory_space<vmem>>
      %dma_start3A_103 = tpu.memref_slice %arg9[%add3A_97] : memref<1509376xf32, #tpu.memory_space<vmem_shared>> -> memref<1024xf32, #tpu.memory_space<vmem_shared>>
      tpu.enqueue_dma source(%dma_start3A_103 : memref<1024xf32, #tpu.memory_space<vmem_shared>>) target(%dma_start3A_102 : memref<1024xf32, #tpu.memory_space<vmem>>) target_semaphore(%arg24 : memref<!tpu.dma_semaphore, #tpu.memory_space<semaphore_mem>>)
      %add3A_104 = arith.constant 1000000 : i32
      %add3A_105 = arith.addi %add3A_104, %mul3A_88 : i32
      %dma_start3A_106 = arith.constant 2048 : i32
      %dma_start3A_107 = tpu.memref_slice %arg18[%dma_start3A_106] : memref<6144xf32, #tpu.memory_space<vmem>> -> memref<1024xf32, #tpu.memory_space<vmem>>
      %dma_start3A_108 = tpu.memref_slice %arg9[%add3A_105] : memref<1509376xf32, #tpu.memory_space<vmem_shared>> -> memref<1024xf32, #tpu.memory_space<vmem_shared>>
      %dma_start3A_109 = arith.constant 2048 : i32
      %dma_start3A_110 = tpu.memref_slice %arg18[%dma_start3A_109] : memref<6144xf32, #tpu.memory_space<vmem>> -> memref<1024xf32, #tpu.memory_space<vmem>>
      %dma_start3A_111 = tpu.memref_slice %arg9[%add3A_105] : memref<1509376xf32, #tpu.memory_space<vmem_shared>> -> memref<1024xf32, #tpu.memory_space<vmem_shared>>
      tpu.enqueue_dma source(%dma_start3A_111 : memref<1024xf32, #tpu.memory_space<vmem_shared>>) target(%dma_start3A_110 : memref<1024xf32, #tpu.memory_space<vmem>>) target_semaphore(%arg24 : memref<!tpu.dma_semaphore, #tpu.memory_space<semaphore_mem>>)
    } else {
    }
    %scan3A_76 = arith.constant 0 : i32
    %scan3A_77 = arith.constant 0 : i32
    %scan3A_78 = arith.constant 16 : i32
    %scan3A_79 = arith.addi %scan3A_77, %scan3A_78 : i32
    %scan3A_80 = arith.constant 1 : i32
    scf.for %scan3A_87 = %scan3A_77 to %scan3A_79 step %scan3A_80  : i32 {
      %mul3A_88 = arith.constant 32 : i32
      %mul3A_89 = arith.muli %scan3A_87, %mul3A_88 : i32
      %add3A = arith.addi %arg1, %mul3A_89 : i32
      %add3A_90 = arith.constant 16 : i32
      %add3A_91 = arith.addi %add3A, %add3A_90 : i32
      %add3A_92 = arith.constant 32 : i32
      %add3A_93 = arith.addi %add3A, %add3A_92 : i32
      %lt3A_94 = arith.constant 488 : i32
      %lt3A_95 = arith.cmpi slt, %add3A_91, %lt3A_94 : i32
      %convert_element_type3A_96 = arith.extui %lt3A_95 : i1 to i32
      %cond3A_97 = arith.constant 0 : i32
      %cond3A_98 = arith.cmpi ne, %convert_element_type3A_96, %cond3A_97 : i32
      scf.if %cond3A_98 {
        %mul3A_114 = arith.constant 1024 : i32
        %mul3A_115 = arith.muli %add3A_91, %mul3A_114 : i32
        %add3A_116 = arith.constant 0 : i32
        %add3A_117 = arith.addi %add3A_116, %mul3A_115 : i32
        %dma_start3A_118 = arith.constant 3072 : i32
        %dma_start3A_119 = tpu.memref_slice %arg18[%dma_start3A_118] : memref<6144xf32, #tpu.memory_space<vmem>> -> memref<1024xf32, #tpu.memory_space<vmem>>
        %dma_start3A_120 = tpu.memref_slice %arg9[%add3A_117] : memref<1509376xf32, #tpu.memory_space<vmem_shared>> -> memref<1024xf32, #tpu.memory_space<vmem_shared>>
        %dma_start3A_121 = arith.constant 3072 : i32
        %dma_start3A_122 = tpu.memref_slice %arg18[%dma_start3A_121] : memref<6144xf32, #tpu.memory_space<vmem>> -> memref<1024xf32, #tpu.memory_space<vmem>>
        %dma_start3A_123 = tpu.memref_slice %arg9[%add3A_117] : memref<1509376xf32, #tpu.memory_space<vmem_shared>> -> memref<1024xf32, #tpu.memory_space<vmem_shared>>
        tpu.enqueue_dma source(%dma_start3A_123 : memref<1024xf32, #tpu.memory_space<vmem_shared>>) target(%dma_start3A_122 : memref<1024xf32, #tpu.memory_space<vmem>>) target_semaphore(%arg25 : memref<!tpu.dma_semaphore, #tpu.memory_space<semaphore_mem>>)
        %add3A_124 = arith.constant 500000 : i32
        %add3A_125 = arith.addi %add3A_124, %mul3A_115 : i32
        %dma_start3A_126 = arith.constant 4096 : i32
        %dma_start3A_127 = tpu.memref_slice %arg18[%dma_start3A_126] : memref<6144xf32, #tpu.memory_space<vmem>> -> memref<1024xf32, #tpu.memory_space<vmem>>
        %dma_start3A_128 = tpu.memref_slice %arg9[%add3A_125] : memref<1509376xf32, #tpu.memory_space<vmem_shared>> -> memref<1024xf32, #tpu.memory_space<vmem_shared>>
        %dma_start3A_129 = arith.constant 4096 : i32
        %dma_start3A_130 = tpu.memref_slice %arg18[%dma_start3A_129] : memref<6144xf32, #tpu.memory_space<vmem>> -> memref<1024xf32, #tpu.memory_space<vmem>>
        %dma_start3A_131 = tpu.memref_slice %arg9[%add3A_125] : memref<1509376xf32, #tpu.memory_space<vmem_shared>> -> memref<1024xf32, #tpu.memory_space<vmem_shared>>
        tpu.enqueue_dma source(%dma_start3A_131 : memref<1024xf32, #tpu.memory_space<vmem_shared>>) target(%dma_start3A_130 : memref<1024xf32, #tpu.memory_space<vmem>>) target_semaphore(%arg25 : memref<!tpu.dma_semaphore, #tpu.memory_space<semaphore_mem>>)
        %add3A_132 = arith.constant 1000000 : i32
        %add3A_133 = arith.addi %add3A_132, %mul3A_115 : i32
        %dma_start3A_134 = arith.constant 5120 : i32
        %dma_start3A_135 = tpu.memref_slice %arg18[%dma_start3A_134] : memref<6144xf32, #tpu.memory_space<vmem>> -> memref<1024xf32, #tpu.memory_space<vmem>>
        %dma_start3A_136 = tpu.memref_slice %arg9[%add3A_133] : memref<1509376xf32, #tpu.memory_space<vmem_shared>> -> memref<1024xf32, #tpu.memory_space<vmem_shared>>
        %dma_start3A_137 = arith.constant 5120 : i32
        %dma_start3A_138 = tpu.memref_slice %arg18[%dma_start3A_137] : memref<6144xf32, #tpu.memory_space<vmem>> -> memref<1024xf32, #tpu.memory_space<vmem>>
        %dma_start3A_139 = tpu.memref_slice %arg9[%add3A_133] : memref<1509376xf32, #tpu.memory_space<vmem_shared>> -> memref<1024xf32, #tpu.memory_space<vmem_shared>>
        tpu.enqueue_dma source(%dma_start3A_139 : memref<1024xf32, #tpu.memory_space<vmem_shared>>) target(%dma_start3A_138 : memref<1024xf32, #tpu.memory_space<vmem>>) target_semaphore(%arg25 : memref<!tpu.dma_semaphore, #tpu.memory_space<semaphore_mem>>)
      } else {
      }
      %lt3A_99 = arith.constant 488 : i32
      %lt3A_100 = arith.cmpi slt, %add3A, %lt3A_99 : i32
      %convert_element_type3A_101 = arith.extui %lt3A_100 : i1 to i32
      %cond3A_102 = arith.constant 0 : i32
      %cond3A_103 = arith.cmpi ne, %convert_element_type3A_101, %cond3A_102 : i32
      scf.if %cond3A_103 {
        %dma_wait3A = arith.constant 0 : i32
        %dma_wait3A_114 = tpu.memref_slice %arg18[%dma_wait3A] : memref<6144xf32, #tpu.memory_space<vmem>> -> memref<1024xf32, #tpu.memory_space<vmem>>
        %dma_wait3A_115 = arith.constant 0 : i32
        %dma_wait3A_116 = tpu.memref_slice %arg9[%dma_wait3A_115] : memref<1509376xf32, #tpu.memory_space<vmem_shared>> -> memref<1024xf32, #tpu.memory_space<vmem_shared>>
        %dma_wait3A_117 = arith.constant 0 : i32
        %dma_wait3A_118 = tpu.memref_slice %arg18[%dma_wait3A_117] : memref<6144xf32, #tpu.memory_space<vmem>> -> memref<1024xf32, #tpu.memory_space<vmem>>
        %dma_wait3A_119 = arith.constant 0 : i32
        %dma_wait3A_120 = tpu.memref_slice %arg9[%dma_wait3A_119] : memref<1509376xf32, #tpu.memory_space<vmem_shared>> -> memref<1024xf32, #tpu.memory_space<vmem_shared>>
        tpu.wait_dma2 semaphore(%arg24 : memref<!tpu.dma_semaphore, #tpu.memory_space<semaphore_mem>>) src(%dma_wait3A_120 : memref<1024xf32, #tpu.memory_space<vmem_shared>>) dst(%dma_wait3A_118 : memref<1024xf32, #tpu.memory_space<vmem>>)
        %dma_wait3A_121 = arith.constant 1024 : i32
        %dma_wait3A_122 = tpu.memref_slice %arg18[%dma_wait3A_121] : memref<6144xf32, #tpu.memory_space<vmem>> -> memref<1024xf32, #tpu.memory_space<vmem>>
        %dma_wait3A_123 = arith.constant 0 : i32
        %dma_wait3A_124 = tpu.memref_slice %arg9[%dma_wait3A_123] : memref<1509376xf32, #tpu.memory_space<vmem_shared>> -> memref<1024xf32, #tpu.memory_space<vmem_shared>>
        %dma_wait3A_125 = arith.constant 1024 : i32
        %dma_wait3A_126 = tpu.memref_slice %arg18[%dma_wait3A_125] : memref<6144xf32, #tpu.memory_space<vmem>> -> memref<1024xf32, #tpu.memory_space<vmem>>
        %dma_wait3A_127 = arith.constant 0 : i32
        %dma_wait3A_128 = tpu.memref_slice %arg9[%dma_wait3A_127] : memref<1509376xf32, #tpu.memory_space<vmem_shared>> -> memref<1024xf32, #tpu.memory_space<vmem_shared>>
        tpu.wait_dma2 semaphore(%arg24 : memref<!tpu.dma_semaphore, #tpu.memory_space<semaphore_mem>>) src(%dma_wait3A_128 : memref<1024xf32, #tpu.memory_space<vmem_shared>>) dst(%dma_wait3A_126 : memref<1024xf32, #tpu.memory_space<vmem>>)
        %dma_wait3A_129 = arith.constant 2048 : i32
        %dma_wait3A_130 = tpu.memref_slice %arg18[%dma_wait3A_129] : memref<6144xf32, #tpu.memory_space<vmem>> -> memref<1024xf32, #tpu.memory_space<vmem>>
        %dma_wait3A_131 = arith.constant 0 : i32
        %dma_wait3A_132 = tpu.memref_slice %arg9[%dma_wait3A_131] : memref<1509376xf32, #tpu.memory_space<vmem_shared>> -> memref<1024xf32, #tpu.memory_space<vmem_shared>>
        %dma_wait3A_133 = arith.constant 2048 : i32
        %dma_wait3A_134 = tpu.memref_slice %arg18[%dma_wait3A_133] : memref<6144xf32, #tpu.memory_space<vmem>> -> memref<1024xf32, #tpu.memory_space<vmem>>
        %dma_wait3A_135 = arith.constant 0 : i32
        %dma_wait3A_136 = tpu.memref_slice %arg9[%dma_wait3A_135] : memref<1509376xf32, #tpu.memory_space<vmem_shared>> -> memref<1024xf32, #tpu.memory_space<vmem_shared>>
        tpu.wait_dma2 semaphore(%arg24 : memref<!tpu.dma_semaphore, #tpu.memory_space<semaphore_mem>>) src(%dma_wait3A_136 : memref<1024xf32, #tpu.memory_space<vmem_shared>>) dst(%dma_wait3A_134 : memref<1024xf32, #tpu.memory_space<vmem>>)
        %scan3A_137 = arith.constant 0 : i32
        %scan3A_138 = arith.constant 0 : i32
        %scan3A_139 = arith.constant 64 : i32
        %scan3A_140 = arith.addi %scan3A_138, %scan3A_139 : i32
        %scan3A_141 = arith.constant 1 : i32
        scf.for %scan3A_182 = %scan3A_138 to %scan3A_140 step %scan3A_141  : i32 {
          %mul3A_183 = arith.constant 16 : i32
          %mul3A_184 = arith.muli %scan3A_182, %mul3A_183 : i32
          %add3A_185 = arith.constant 0 : i32
          %add3A_186 = arith.addi %add3A_185, %mul3A_184 : i32
          %get3A_187 = arith.index_cast %add3A_186 : i32 to index
          %get3A_188 = tpu.vector_load %arg18[%get3A_187] {strides = array<i32>} : memref<6144xf32, #tpu.memory_space<vmem>>, vector<16xf32>,
          %get3A_189 = vector.shape_cast %get3A_188 : vector<16xf32> to vector<16xf32>
          %add3A_190 = arith.constant 1024 : i32
          %add3A_191 = arith.addi %add3A_190, %mul3A_184 : i32
          %get3A_192 = arith.index_cast %add3A_191 : i32 to index
          %get3A_193 = tpu.vector_load %arg18[%get3A_192] {strides = array<i32>} : memref<6144xf32, #tpu.memory_space<vmem>>, vector<16xf32>,
          %get3A_194 = vector.shape_cast %get3A_193 : vector<16xf32> to vector<16xf32>
          %add3A_195 = arith.constant 2048 : i32
          %add3A_196 = arith.addi %add3A_195, %mul3A_184 : i32
          %get3A_197 = arith.index_cast %add3A_196 : i32 to index
          %get3A_198 = tpu.vector_load %arg18[%get3A_197] {strides = array<i32>} : memref<6144xf32, #tpu.memory_space<vmem>>, vector<16xf32>,
          %get3A_199 = vector.shape_cast %get3A_198 : vector<16xf32> to vector<16xf32>
          %mul3A_200 = arith.mulf %get3A_189, %get3A_47 : vector<16xf32>
          %mul3A_201 = arith.mulf %get3A_194, %get3A_56 : vector<16xf32>
          %add3A_202 = arith.addf %mul3A_200, %mul3A_201 : vector<16xf32>
          %mul3A_203 = arith.mulf %get3A_199, %get3A_65 : vector<16xf32>
          %add3A_204 = arith.addf %add3A_202, %mul3A_203 : vector<16xf32>
          %add3A_205 = arith.constant 0 : i32
          %add3A_206 = arith.addi %add3A_205, %mul3A_184 : i32
          %swap3A = arith.index_cast %add3A_206 : i32 to index
          %swap3A_207 = tpu.vector_load %arg19[%swap3A] {strides = array<i32>} : memref<6144xf32, #tpu.memory_space<vmem>>, vector<16xf32>,
          %swap3A_208 = vector.shape_cast %swap3A_207 : vector<16xf32> to vector<16xf32>
          %swap3A_209 = vector.shape_cast %add3A_204 : vector<16xf32> to vector<16xf32>
          tpu.vector_store %arg19[%swap3A], %swap3A_209 {strides = array<i32>} : memref<6144xf32, #tpu.memory_space<vmem>>, vector<16xf32>,
          %mul3A_210 = arith.mulf %get3A_189, %get3A_50 : vector<16xf32>
          %mul3A_211 = arith.mulf %get3A_194, %get3A_59 : vector<16xf32>
          %add3A_212 = arith.addf %mul3A_210, %mul3A_211 : vector<16xf32>
          %mul3A_213 = arith.mulf %get3A_199, %get3A_68 : vector<16xf32>
          %add3A_214 = arith.addf %add3A_212, %mul3A_213 : vector<16xf32>
          %add3A_215 = arith.constant 1024 : i32
          %add3A_216 = arith.addi %add3A_215, %mul3A_184 : i32
          %swap3A_217 = arith.index_cast %add3A_216 : i32 to index
          %swap3A_218 = tpu.vector_load %arg19[%swap3A_217] {strides = array<i32>} : memref<6144xf32, #tpu.memory_space<vmem>>, vector<16xf32>,
          %swap3A_219 = vector.shape_cast %swap3A_218 : vector<16xf32> to vector<16xf32>
          %swap3A_220 = vector.shape_cast %add3A_214 : vector<16xf32> to vector<16xf32>
          tpu.vector_store %arg19[%swap3A_217], %swap3A_220 {strides = array<i32>} : memref<6144xf32, #tpu.memory_space<vmem>>, vector<16xf32>,
          %mul3A_221 = arith.mulf %get3A_189, %get3A_53 : vector<16xf32>
          %mul3A_222 = arith.mulf %get3A_194, %get3A_62 : vector<16xf32>
          %add3A_223 = arith.addf %mul3A_221, %mul3A_222 : vector<16xf32>
          %mul3A_224 = arith.mulf %get3A_199, %get3A_71 : vector<16xf32>
          %add3A_225 = arith.addf %add3A_223, %mul3A_224 : vector<16xf32>
          %add3A_226 = arith.constant 2048 : i32
          %add3A_227 = arith.addi %add3A_226, %mul3A_184 : i32
          %swap3A_228 = arith.index_cast %add3A_227 : i32 to index
          %swap3A_229 = tpu.vector_load %arg19[%swap3A_228] {strides = array<i32>} : memref<6144xf32, #tpu.memory_space<vmem>>, vector<16xf32>,
          %swap3A_230 = vector.shape_cast %swap3A_229 : vector<16xf32> to vector<16xf32>
          %swap3A_231 = vector.shape_cast %add3A_225 : vector<16xf32> to vector<16xf32>
          tpu.vector_store %arg19[%swap3A_228], %swap3A_231 {strides = array<i32>} : memref<6144xf32, #tpu.memory_space<vmem>>, vector<16xf32>,
        }
        %scan3A_142 = arith.constant 64 : i32
        %mul3A_143 = arith.constant 1024 : i32
        %mul3A_144 = arith.muli %add3A, %mul3A_143 : i32
        %add3A_145 = arith.addi %mul3A_0, %mul3A_144 : i32
        %dma_start3A_146 = arith.constant 0 : i32
        %dma_start3A_147 = tpu.memref_slice %arg19[%dma_start3A_146] : memref<6144xf32, #tpu.memory_space<vmem>> -> memref<1024xf32, #tpu.memory_space<vmem>>
        %dma_start3A_148 = tpu.memref_slice %arg6[%add3A_145] : memref<1000000xf32, #tpu.memory_space<hbm>> -> memref<1024xf32, #tpu.memory_space<hbm>>
        %dma_start3A_149 = tpu.memref_slice %arg6[%add3A_145] : memref<1000000xf32, #tpu.memory_space<hbm>> -> memref<1024xf32, #tpu.memory_space<hbm>>
        %dma_start3A_150 = arith.constant 0 : i32
        %dma_start3A_151 = tpu.memref_slice %arg19[%dma_start3A_150] : memref<6144xf32, #tpu.memory_space<vmem>> -> memref<1024xf32, #tpu.memory_space<vmem>>
        tpu.enqueue_dma source(%dma_start3A_151 : memref<1024xf32, #tpu.memory_space<vmem>>) target(%dma_start3A_149 : memref<1024xf32, #tpu.memory_space<hbm>>) target_semaphore(%arg26 : memref<!tpu.dma_semaphore, #tpu.memory_space<semaphore_mem>>)
        %dma_start3A_152 = arith.constant 1024 : i32
        %dma_start3A_153 = tpu.memref_slice %arg19[%dma_start3A_152] : memref<6144xf32, #tpu.memory_space<vmem>> -> memref<1024xf32, #tpu.memory_space<vmem>>
        %dma_start3A_154 = tpu.memref_slice %arg7[%add3A_145] : memref<1000000xf32, #tpu.memory_space<hbm>> -> memref<1024xf32, #tpu.memory_space<hbm>>
        %dma_start3A_155 = tpu.memref_slice %arg7[%add3A_145] : memref<1000000xf32, #tpu.memory_space<hbm>> -> memref<1024xf32, #tpu.memory_space<hbm>>
        %dma_start3A_156 = arith.constant 1024 : i32
        %dma_start3A_157 = tpu.memref_slice %arg19[%dma_start3A_156] : memref<6144xf32, #tpu.memory_space<vmem>> -> memref<1024xf32, #tpu.memory_space<vmem>>
        tpu.enqueue_dma source(%dma_start3A_157 : memref<1024xf32, #tpu.memory_space<vmem>>) target(%dma_start3A_155 : memref<1024xf32, #tpu.memory_space<hbm>>) target_semaphore(%arg26 : memref<!tpu.dma_semaphore, #tpu.memory_space<semaphore_mem>>)
        %dma_start3A_158 = arith.constant 2048 : i32
        %dma_start3A_159 = tpu.memref_slice %arg19[%dma_start3A_158] : memref<6144xf32, #tpu.memory_space<vmem>> -> memref<1024xf32, #tpu.memory_space<vmem>>
        %dma_start3A_160 = tpu.memref_slice %arg8[%add3A_145] : memref<1000000xf32, #tpu.memory_space<hbm>> -> memref<1024xf32, #tpu.memory_space<hbm>>
        %dma_start3A_161 = tpu.memref_slice %arg8[%add3A_145] : memref<1000000xf32, #tpu.memory_space<hbm>> -> memref<1024xf32, #tpu.memory_space<hbm>>
        %dma_start3A_162 = arith.constant 2048 : i32
        %dma_start3A_163 = tpu.memref_slice %arg19[%dma_start3A_162] : memref<6144xf32, #tpu.memory_space<vmem>> -> memref<1024xf32, #tpu.memory_space<vmem>>
        tpu.enqueue_dma source(%dma_start3A_163 : memref<1024xf32, #tpu.memory_space<vmem>>) target(%dma_start3A_161 : memref<1024xf32, #tpu.memory_space<hbm>>) target_semaphore(%arg26 : memref<!tpu.dma_semaphore, #tpu.memory_space<semaphore_mem>>)
        %dma_wait3A_164 = arith.constant 0 : i32
        %dma_wait3A_165 = tpu.memref_slice %arg19[%dma_wait3A_164] : memref<6144xf32, #tpu.memory_space<vmem>> -> memref<1024xf32, #tpu.memory_space<vmem>>
        %dma_wait3A_166 = tpu.memref_slice %arg6[%add3A_145] : memref<1000000xf32, #tpu.memory_space<hbm>> -> memref<1024xf32, #tpu.memory_space<hbm>>
        %dma_wait3A_167 = tpu.memref_slice %arg6[%add3A_145] : memref<1000000xf32, #tpu.memory_space<hbm>> -> memref<1024xf32, #tpu.memory_space<hbm>>
        %dma_wait3A_168 = arith.constant 0 : i32
        %dma_wait3A_169 = tpu.memref_slice %arg19[%dma_wait3A_168] : memref<6144xf32, #tpu.memory_space<vmem>> -> memref<1024xf32, #tpu.memory_space<vmem>>
        tpu.wait_dma2 semaphore(%arg26 : memref<!tpu.dma_semaphore, #tpu.memory_space<semaphore_mem>>) src(%dma_wait3A_169 : memref<1024xf32, #tpu.memory_space<vmem>>) dst(%dma_wait3A_167 : memref<1024xf32, #tpu.memory_space<hbm>>)
        %dma_wait3A_170 = arith.constant 1024 : i32
        %dma_wait3A_171 = tpu.memref_slice %arg19[%dma_wait3A_170] : memref<6144xf32, #tpu.memory_space<vmem>> -> memref<1024xf32, #tpu.memory_space<vmem>>
        %dma_wait3A_172 = tpu.memref_slice %arg7[%add3A_145] : memref<1000000xf32, #tpu.memory_space<hbm>> -> memref<1024xf32, #tpu.memory_space<hbm>>
        %dma_wait3A_173 = tpu.memref_slice %arg7[%add3A_145] : memref<1000000xf32, #tpu.memory_space<hbm>> -> memref<1024xf32, #tpu.memory_space<hbm>>
        %dma_wait3A_174 = arith.constant 1024 : i32
        %dma_wait3A_175 = tpu.memref_slice %arg19[%dma_wait3A_174] : memref<6144xf32, #tpu.memory_space<vmem>> -> memref<1024xf32, #tpu.memory_space<vmem>>
        tpu.wait_dma2 semaphore(%arg26 : memref<!tpu.dma_semaphore, #tpu.memory_space<semaphore_mem>>) src(%dma_wait3A_175 : memref<1024xf32, #tpu.memory_space<vmem>>) dst(%dma_wait3A_173 : memref<1024xf32, #tpu.memory_space<hbm>>)
        %dma_wait3A_176 = arith.constant 2048 : i32
        %dma_wait3A_177 = tpu.memref_slice %arg19[%dma_wait3A_176] : memref<6144xf32, #tpu.memory_space<vmem>> -> memref<1024xf32, #tpu.memory_space<vmem>>
        %dma_wait3A_178 = tpu.memref_slice %arg8[%add3A_145] : memref<1000000xf32, #tpu.memory_space<hbm>> -> memref<1024xf32, #tpu.memory_space<hbm>>
        %dma_wait3A_179 = tpu.memref_slice %arg8[%add3A_145] : memref<1000000xf32, #tpu.memory_space<hbm>> -> memref<1024xf32, #tpu.memory_space<hbm>>
        %dma_wait3A_180 = arith.constant 2048 : i32
        %dma_wait3A_181 = tpu.memref_slice %arg19[%dma_wait3A_180] : memref<6144xf32, #tpu.memory_space<vmem>> -> memref<1024xf32, #tpu.memory_space<vmem>>
        tpu.wait_dma2 semaphore(%arg26 : memref<!tpu.dma_semaphore, #tpu.memory_space<semaphore_mem>>) src(%dma_wait3A_181 : memref<1024xf32, #tpu.memory_space<vmem>>) dst(%dma_wait3A_179 : memref<1024xf32, #tpu.memory_space<hbm>>)
      } else {
      }
      %lt3A_104 = arith.constant 488 : i32
      %lt3A_105 = arith.cmpi slt, %add3A_93, %lt3A_104 : i32
      %convert_element_type3A_106 = arith.extui %lt3A_105 : i1 to i32
      %cond3A_107 = arith.constant 0 : i32
      %cond3A_108 = arith.cmpi ne, %convert_element_type3A_106, %cond3A_107 : i32
      scf.if %cond3A_108 {
        %mul3A_114 = arith.constant 1024 : i32
        %mul3A_115 = arith.muli %add3A_93, %mul3A_114 : i32
        %add3A_116 = arith.constant 0 : i32
        %add3A_117 = arith.addi %add3A_116, %mul3A_115 : i32
        %dma_start3A_118 = arith.constant 0 : i32
        %dma_start3A_119 = tpu.memref_slice %arg18[%dma_start3A_118] : memref<6144xf32, #tpu.memory_space<vmem>> -> memref<1024xf32, #tpu.memory_space<vmem>>
        %dma_start3A_120 = tpu.memref_slice %arg9[%add3A_117] : memref<1509376xf32, #tpu.memory_space<vmem_shared>> -> memref<1024xf32, #tpu.memory_space<vmem_shared>>
        %dma_start3A_121 = arith.constant 0 : i32
        %dma_start3A_122 = tpu.memref_slice %arg18[%dma_start3A_121] : memref<6144xf32, #tpu.memory_space<vmem>> -> memref<1024xf32, #tpu.memory_space<vmem>>
        %dma_start3A_123 = tpu.memref_slice %arg9[%add3A_117] : memref<1509376xf32, #tpu.memory_space<vmem_shared>> -> memref<1024xf32, #tpu.memory_space<vmem_shared>>
        tpu.enqueue_dma source(%dma_start3A_123 : memref<1024xf32, #tpu.memory_space<vmem_shared>>) target(%dma_start3A_122 : memref<1024xf32, #tpu.memory_space<vmem>>) target_semaphore(%arg24 : memref<!tpu.dma_semaphore, #tpu.memory_space<semaphore_mem>>)
        %add3A_124 = arith.constant 500000 : i32
        %add3A_125 = arith.addi %add3A_124, %mul3A_115 : i32
        %dma_start3A_126 = arith.constant 1024 : i32
        %dma_start3A_127 = tpu.memref_slice %arg18[%dma_start3A_126] : memref<6144xf32, #tpu.memory_space<vmem>> -> memref<1024xf32, #tpu.memory_space<vmem>>
        %dma_start3A_128 = tpu.memref_slice %arg9[%add3A_125] : memref<1509376xf32, #tpu.memory_space<vmem_shared>> -> memref<1024xf32, #tpu.memory_space<vmem_shared>>
        %dma_start3A_129 = arith.constant 1024 : i32
        %dma_start3A_130 = tpu.memref_slice %arg18[%dma_start3A_129] : memref<6144xf32, #tpu.memory_space<vmem>> -> memref<1024xf32, #tpu.memory_space<vmem>>
        %dma_start3A_131 = tpu.memref_slice %arg9[%add3A_125] : memref<1509376xf32, #tpu.memory_space<vmem_shared>> -> memref<1024xf32, #tpu.memory_space<vmem_shared>>
        tpu.enqueue_dma source(%dma_start3A_131 : memref<1024xf32, #tpu.memory_space<vmem_shared>>) target(%dma_start3A_130 : memref<1024xf32, #tpu.memory_space<vmem>>) target_semaphore(%arg24 : memref<!tpu.dma_semaphore, #tpu.memory_space<semaphore_mem>>)
        %add3A_132 = arith.constant 1000000 : i32
        %add3A_133 = arith.addi %add3A_132, %mul3A_115 : i32
        %dma_start3A_134 = arith.constant 2048 : i32
        %dma_start3A_135 = tpu.memref_slice %arg18[%dma_start3A_134] : memref<6144xf32, #tpu.memory_space<vmem>> -> memref<1024xf32, #tpu.memory_space<vmem>>
        %dma_start3A_136 = tpu.memref_slice %arg9[%add3A_133] : memref<1509376xf32, #tpu.memory_space<vmem_shared>> -> memref<1024xf32, #tpu.memory_space<vmem_shared>>
        %dma_start3A_137 = arith.constant 2048 : i32
        %dma_start3A_138 = tpu.memref_slice %arg18[%dma_start3A_137] : memref<6144xf32, #tpu.memory_space<vmem>> -> memref<1024xf32, #tpu.memory_space<vmem>>
        %dma_start3A_139 = tpu.memref_slice %arg9[%add3A_133] : memref<1509376xf32, #tpu.memory_space<vmem_shared>> -> memref<1024xf32, #tpu.memory_space<vmem_shared>>
        tpu.enqueue_dma source(%dma_start3A_139 : memref<1024xf32, #tpu.memory_space<vmem_shared>>) target(%dma_start3A_138 : memref<1024xf32, #tpu.memory_space<vmem>>) target_semaphore(%arg24 : memref<!tpu.dma_semaphore, #tpu.memory_space<semaphore_mem>>)
      } else {
      }
      %lt3A_109 = arith.constant 488 : i32
      %lt3A_110 = arith.cmpi slt, %add3A_91, %lt3A_109 : i32
      %convert_element_type3A_111 = arith.extui %lt3A_110 : i1 to i32
      %cond3A_112 = arith.constant 0 : i32
      %cond3A_113 = arith.cmpi ne, %convert_element_type3A_111, %cond3A_112 : i32
      scf.if %cond3A_113 {
        %dma_wait3A = arith.constant 3072 : i32
        %dma_wait3A_114 = tpu.memref_slice %arg18[%dma_wait3A] : memref<6144xf32, #tpu.memory_space<vmem>> -> memref<1024xf32, #tpu.memory_space<vmem>>
        %dma_wait3A_115 = arith.constant 0 : i32
        %dma_wait3A_116 = tpu.memref_slice %arg9[%dma_wait3A_115] : memref<1509376xf32, #tpu.memory_space<vmem_shared>> -> memref<1024xf32, #tpu.memory_space<vmem_shared>>
        %dma_wait3A_117 = arith.constant 3072 : i32
        %dma_wait3A_118 = tpu.memref_slice %arg18[%dma_wait3A_117] : memref<6144xf32, #tpu.memory_space<vmem>> -> memref<1024xf32, #tpu.memory_space<vmem>>
        %dma_wait3A_119 = arith.constant 0 : i32
        %dma_wait3A_120 = tpu.memref_slice %arg9[%dma_wait3A_119] : memref<1509376xf32, #tpu.memory_space<vmem_shared>> -> memref<1024xf32, #tpu.memory_space<vmem_shared>>
        tpu.wait_dma2 semaphore(%arg25 : memref<!tpu.dma_semaphore, #tpu.memory_space<semaphore_mem>>) src(%dma_wait3A_120 : memref<1024xf32, #tpu.memory_space<vmem_shared>>) dst(%dma_wait3A_118 : memref<1024xf32, #tpu.memory_space<vmem>>)
        %dma_wait3A_121 = arith.constant 4096 : i32
        %dma_wait3A_122 = tpu.memref_slice %arg18[%dma_wait3A_121] : memref<6144xf32, #tpu.memory_space<vmem>> -> memref<1024xf32, #tpu.memory_space<vmem>>
        %dma_wait3A_123 = arith.constant 0 : i32
        %dma_wait3A_124 = tpu.memref_slice %arg9[%dma_wait3A_123] : memref<1509376xf32, #tpu.memory_space<vmem_shared>> -> memref<1024xf32, #tpu.memory_space<vmem_shared>>
        %dma_wait3A_125 = arith.constant 4096 : i32
        %dma_wait3A_126 = tpu.memref_slice %arg18[%dma_wait3A_125] : memref<6144xf32, #tpu.memory_space<vmem>> -> memref<1024xf32, #tpu.memory_space<vmem>>
        %dma_wait3A_127 = arith.constant 0 : i32
        %dma_wait3A_128 = tpu.memref_slice %arg9[%dma_wait3A_127] : memref<1509376xf32, #tpu.memory_space<vmem_shared>> -> memref<1024xf32, #tpu.memory_space<vmem_shared>>
        tpu.wait_dma2 semaphore(%arg25 : memref<!tpu.dma_semaphore, #tpu.memory_space<semaphore_mem>>) src(%dma_wait3A_128 : memref<1024xf32, #tpu.memory_space<vmem_shared>>) dst(%dma_wait3A_126 : memref<1024xf32, #tpu.memory_space<vmem>>)
        %dma_wait3A_129 = arith.constant 5120 : i32
        %dma_wait3A_130 = tpu.memref_slice %arg18[%dma_wait3A_129] : memref<6144xf32, #tpu.memory_space<vmem>> -> memref<1024xf32, #tpu.memory_space<vmem>>
        %dma_wait3A_131 = arith.constant 0 : i32
        %dma_wait3A_132 = tpu.memref_slice %arg9[%dma_wait3A_131] : memref<1509376xf32, #tpu.memory_space<vmem_shared>> -> memref<1024xf32, #tpu.memory_space<vmem_shared>>
        %dma_wait3A_133 = arith.constant 5120 : i32
        %dma_wait3A_134 = tpu.memref_slice %arg18[%dma_wait3A_133] : memref<6144xf32, #tpu.memory_space<vmem>> -> memref<1024xf32, #tpu.memory_space<vmem>>
        %dma_wait3A_135 = arith.constant 0 : i32
        %dma_wait3A_136 = tpu.memref_slice %arg9[%dma_wait3A_135] : memref<1509376xf32, #tpu.memory_space<vmem_shared>> -> memref<1024xf32, #tpu.memory_space<vmem_shared>>
        tpu.wait_dma2 semaphore(%arg25 : memref<!tpu.dma_semaphore, #tpu.memory_space<semaphore_mem>>) src(%dma_wait3A_136 : memref<1024xf32, #tpu.memory_space<vmem_shared>>) dst(%dma_wait3A_134 : memref<1024xf32, #tpu.memory_space<vmem>>)
        %scan3A_137 = arith.constant 0 : i32
        %scan3A_138 = arith.constant 0 : i32
        %scan3A_139 = arith.constant 64 : i32
        %scan3A_140 = arith.addi %scan3A_138, %scan3A_139 : i32
        %scan3A_141 = arith.constant 1 : i32
        scf.for %scan3A_182 = %scan3A_138 to %scan3A_140 step %scan3A_141  : i32 {
          %mul3A_183 = arith.constant 16 : i32
          %mul3A_184 = arith.muli %scan3A_182, %mul3A_183 : i32
          %add3A_185 = arith.constant 3072 : i32
          %add3A_186 = arith.addi %add3A_185, %mul3A_184 : i32
          %get3A_187 = arith.index_cast %add3A_186 : i32 to index
          %get3A_188 = tpu.vector_load %arg18[%get3A_187] {strides = array<i32>} : memref<6144xf32, #tpu.memory_space<vmem>>, vector<16xf32>,
          %get3A_189 = vector.shape_cast %get3A_188 : vector<16xf32> to vector<16xf32>
          %add3A_190 = arith.constant 4096 : i32
          %add3A_191 = arith.addi %add3A_190, %mul3A_184 : i32
          %get3A_192 = arith.index_cast %add3A_191 : i32 to index
          %get3A_193 = tpu.vector_load %arg18[%get3A_192] {strides = array<i32>} : memref<6144xf32, #tpu.memory_space<vmem>>, vector<16xf32>,
          %get3A_194 = vector.shape_cast %get3A_193 : vector<16xf32> to vector<16xf32>
          %add3A_195 = arith.constant 5120 : i32
          %add3A_196 = arith.addi %add3A_195, %mul3A_184 : i32
          %get3A_197 = arith.index_cast %add3A_196 : i32 to index
          %get3A_198 = tpu.vector_load %arg18[%get3A_197] {strides = array<i32>} : memref<6144xf32, #tpu.memory_space<vmem>>, vector<16xf32>,
          %get3A_199 = vector.shape_cast %get3A_198 : vector<16xf32> to vector<16xf32>
          %mul3A_200 = arith.mulf %get3A_189, %get3A_47 : vector<16xf32>
          %mul3A_201 = arith.mulf %get3A_194, %get3A_56 : vector<16xf32>
          %add3A_202 = arith.addf %mul3A_200, %mul3A_201 : vector<16xf32>
          %mul3A_203 = arith.mulf %get3A_199, %get3A_65 : vector<16xf32>
          %add3A_204 = arith.addf %add3A_202, %mul3A_203 : vector<16xf32>
          %add3A_205 = arith.constant 3072 : i32
          %add3A_206 = arith.addi %add3A_205, %mul3A_184 : i32
          %swap3A = arith.index_cast %add3A_206 : i32 to index
          %swap3A_207 = tpu.vector_load %arg19[%swap3A] {strides = array<i32>} : memref<6144xf32, #tpu.memory_space<vmem>>, vector<16xf32>,
          %swap3A_208 = vector.shape_cast %swap3A_207 : vector<16xf32> to vector<16xf32>
          %swap3A_209 = vector.shape_cast %add3A_204 : vector<16xf32> to vector<16xf32>
          tpu.vector_store %arg19[%swap3A], %swap3A_209 {strides = array<i32>} : memref<6144xf32, #tpu.memory_space<vmem>>, vector<16xf32>,
          %mul3A_210 = arith.mulf %get3A_189, %get3A_50 : vector<16xf32>
          %mul3A_211 = arith.mulf %get3A_194, %get3A_59 : vector<16xf32>
          %add3A_212 = arith.addf %mul3A_210, %mul3A_211 : vector<16xf32>
          %mul3A_213 = arith.mulf %get3A_199, %get3A_68 : vector<16xf32>
          %add3A_214 = arith.addf %add3A_212, %mul3A_213 : vector<16xf32>
          %add3A_215 = arith.constant 4096 : i32
          %add3A_216 = arith.addi %add3A_215, %mul3A_184 : i32
          %swap3A_217 = arith.index_cast %add3A_216 : i32 to index
          %swap3A_218 = tpu.vector_load %arg19[%swap3A_217] {strides = array<i32>} : memref<6144xf32, #tpu.memory_space<vmem>>, vector<16xf32>,
          %swap3A_219 = vector.shape_cast %swap3A_218 : vector<16xf32> to vector<16xf32>
          %swap3A_220 = vector.shape_cast %add3A_214 : vector<16xf32> to vector<16xf32>
          tpu.vector_store %arg19[%swap3A_217], %swap3A_220 {strides = array<i32>} : memref<6144xf32, #tpu.memory_space<vmem>>, vector<16xf32>,
          %mul3A_221 = arith.mulf %get3A_189, %get3A_53 : vector<16xf32>
          %mul3A_222 = arith.mulf %get3A_194, %get3A_62 : vector<16xf32>
          %add3A_223 = arith.addf %mul3A_221, %mul3A_222 : vector<16xf32>
          %mul3A_224 = arith.mulf %get3A_199, %get3A_71 : vector<16xf32>
          %add3A_225 = arith.addf %add3A_223, %mul3A_224 : vector<16xf32>
          %add3A_226 = arith.constant 5120 : i32
          %add3A_227 = arith.addi %add3A_226, %mul3A_184 : i32
          %swap3A_228 = arith.index_cast %add3A_227 : i32 to index
          %swap3A_229 = tpu.vector_load %arg19[%swap3A_228] {strides = array<i32>} : memref<6144xf32, #tpu.memory_space<vmem>>, vector<16xf32>,
          %swap3A_230 = vector.shape_cast %swap3A_229 : vector<16xf32> to vector<16xf32>
          %swap3A_231 = vector.shape_cast %add3A_225 : vector<16xf32> to vector<16xf32>
          tpu.vector_store %arg19[%swap3A_228], %swap3A_231 {strides = array<i32>} : memref<6144xf32, #tpu.memory_space<vmem>>, vector<16xf32>,
        }
        %scan3A_142 = arith.constant 64 : i32
        %mul3A_143 = arith.constant 1024 : i32
        %mul3A_144 = arith.muli %add3A_91, %mul3A_143 : i32
        %add3A_145 = arith.addi %mul3A_0, %mul3A_144 : i32
        %dma_start3A_146 = arith.constant 3072 : i32
        %dma_start3A_147 = tpu.memref_slice %arg19[%dma_start3A_146] : memref<6144xf32, #tpu.memory_space<vmem>> -> memref<1024xf32, #tpu.memory_space<vmem>>
        %dma_start3A_148 = tpu.memref_slice %arg6[%add3A_145] : memref<1000000xf32, #tpu.memory_space<hbm>> -> memref<1024xf32, #tpu.memory_space<hbm>>
        %dma_start3A_149 = tpu.memref_slice %arg6[%add3A_145] : memref<1000000xf32, #tpu.memory_space<hbm>> -> memref<1024xf32, #tpu.memory_space<hbm>>
        %dma_start3A_150 = arith.constant 3072 : i32
        %dma_start3A_151 = tpu.memref_slice %arg19[%dma_start3A_150] : memref<6144xf32, #tpu.memory_space<vmem>> -> memref<1024xf32, #tpu.memory_space<vmem>>
        tpu.enqueue_dma source(%dma_start3A_151 : memref<1024xf32, #tpu.memory_space<vmem>>) target(%dma_start3A_149 : memref<1024xf32, #tpu.memory_space<hbm>>) target_semaphore(%arg26 : memref<!tpu.dma_semaphore, #tpu.memory_space<semaphore_mem>>)
        %dma_start3A_152 = arith.constant 4096 : i32
        %dma_start3A_153 = tpu.memref_slice %arg19[%dma_start3A_152] : memref<6144xf32, #tpu.memory_space<vmem>> -> memref<1024xf32, #tpu.memory_space<vmem>>
        %dma_start3A_154 = tpu.memref_slice %arg7[%add3A_145] : memref<1000000xf32, #tpu.memory_space<hbm>> -> memref<1024xf32, #tpu.memory_space<hbm>>
        %dma_start3A_155 = tpu.memref_slice %arg7[%add3A_145] : memref<1000000xf32, #tpu.memory_space<hbm>> -> memref<1024xf32, #tpu.memory_space<hbm>>
        %dma_start3A_156 = arith.constant 4096 : i32
        %dma_start3A_157 = tpu.memref_slice %arg19[%dma_start3A_156] : memref<6144xf32, #tpu.memory_space<vmem>> -> memref<1024xf32, #tpu.memory_space<vmem>>
        tpu.enqueue_dma source(%dma_start3A_157 : memref<1024xf32, #tpu.memory_space<vmem>>) target(%dma_start3A_155 : memref<1024xf32, #tpu.memory_space<hbm>>) target_semaphore(%arg26 : memref<!tpu.dma_semaphore, #tpu.memory_space<semaphore_mem>>)
        %dma_start3A_158 = arith.constant 5120 : i32
        %dma_start3A_159 = tpu.memref_slice %arg19[%dma_start3A_158] : memref<6144xf32, #tpu.memory_space<vmem>> -> memref<1024xf32, #tpu.memory_space<vmem>>
        %dma_start3A_160 = tpu.memref_slice %arg8[%add3A_145] : memref<1000000xf32, #tpu.memory_space<hbm>> -> memref<1024xf32, #tpu.memory_space<hbm>>
        %dma_start3A_161 = tpu.memref_slice %arg8[%add3A_145] : memref<1000000xf32, #tpu.memory_space<hbm>> -> memref<1024xf32, #tpu.memory_space<hbm>>
        %dma_start3A_162 = arith.constant 5120 : i32
        %dma_start3A_163 = tpu.memref_slice %arg19[%dma_start3A_162] : memref<6144xf32, #tpu.memory_space<vmem>> -> memref<1024xf32, #tpu.memory_space<vmem>>
        tpu.enqueue_dma source(%dma_start3A_163 : memref<1024xf32, #tpu.memory_space<vmem>>) target(%dma_start3A_161 : memref<1024xf32, #tpu.memory_space<hbm>>) target_semaphore(%arg26 : memref<!tpu.dma_semaphore, #tpu.memory_space<semaphore_mem>>)
        %dma_wait3A_164 = arith.constant 3072 : i32
        %dma_wait3A_165 = tpu.memref_slice %arg19[%dma_wait3A_164] : memref<6144xf32, #tpu.memory_space<vmem>> -> memref<1024xf32, #tpu.memory_space<vmem>>
        %dma_wait3A_166 = tpu.memref_slice %arg6[%add3A_145] : memref<1000000xf32, #tpu.memory_space<hbm>> -> memref<1024xf32, #tpu.memory_space<hbm>>
        %dma_wait3A_167 = tpu.memref_slice %arg6[%add3A_145] : memref<1000000xf32, #tpu.memory_space<hbm>> -> memref<1024xf32, #tpu.memory_space<hbm>>
        %dma_wait3A_168 = arith.constant 3072 : i32
        %dma_wait3A_169 = tpu.memref_slice %arg19[%dma_wait3A_168] : memref<6144xf32, #tpu.memory_space<vmem>> -> memref<1024xf32, #tpu.memory_space<vmem>>
        tpu.wait_dma2 semaphore(%arg26 : memref<!tpu.dma_semaphore, #tpu.memory_space<semaphore_mem>>) src(%dma_wait3A_169 : memref<1024xf32, #tpu.memory_space<vmem>>) dst(%dma_wait3A_167 : memref<1024xf32, #tpu.memory_space<hbm>>)
        %dma_wait3A_170 = arith.constant 4096 : i32
        %dma_wait3A_171 = tpu.memref_slice %arg19[%dma_wait3A_170] : memref<6144xf32, #tpu.memory_space<vmem>> -> memref<1024xf32, #tpu.memory_space<vmem>>
        %dma_wait3A_172 = tpu.memref_slice %arg7[%add3A_145] : memref<1000000xf32, #tpu.memory_space<hbm>> -> memref<1024xf32, #tpu.memory_space<hbm>>
        %dma_wait3A_173 = tpu.memref_slice %arg7[%add3A_145] : memref<1000000xf32, #tpu.memory_space<hbm>> -> memref<1024xf32, #tpu.memory_space<hbm>>
        %dma_wait3A_174 = arith.constant 4096 : i32
        %dma_wait3A_175 = tpu.memref_slice %arg19[%dma_wait3A_174] : memref<6144xf32, #tpu.memory_space<vmem>> -> memref<1024xf32, #tpu.memory_space<vmem>>
        tpu.wait_dma2 semaphore(%arg26 : memref<!tpu.dma_semaphore, #tpu.memory_space<semaphore_mem>>) src(%dma_wait3A_175 : memref<1024xf32, #tpu.memory_space<vmem>>) dst(%dma_wait3A_173 : memref<1024xf32, #tpu.memory_space<hbm>>)
        %dma_wait3A_176 = arith.constant 5120 : i32
        %dma_wait3A_177 = tpu.memref_slice %arg19[%dma_wait3A_176] : memref<6144xf32, #tpu.memory_space<vmem>> -> memref<1024xf32, #tpu.memory_space<vmem>>
        %dma_wait3A_178 = tpu.memref_slice %arg8[%add3A_145] : memref<1000000xf32, #tpu.memory_space<hbm>> -> memref<1024xf32, #tpu.memory_space<hbm>>
        %dma_wait3A_179 = tpu.memref_slice %arg8[%add3A_145] : memref<1000000xf32, #tpu.memory_space<hbm>> -> memref<1024xf32, #tpu.memory_space<hbm>>
        %dma_wait3A_180 = arith.constant 5120 : i32
        %dma_wait3A_181 = tpu.memref_slice %arg19[%dma_wait3A_180] : memref<6144xf32, #tpu.memory_space<vmem>> -> memref<1024xf32, #tpu.memory_space<vmem>>
        tpu.wait_dma2 semaphore(%arg26 : memref<!tpu.dma_semaphore, #tpu.memory_space<semaphore_mem>>) src(%dma_wait3A_181 : memref<1024xf32, #tpu.memory_space<vmem>>) dst(%dma_wait3A_179 : memref<1024xf32, #tpu.memory_space<hbm>>)
      } else {
      }
    }
    %scan3A_81 = arith.constant 16 : i32
    %eq3A_82 = arith.constant 15 : i32
    %eq3A_83 = arith.cmpi eq, %arg1, %eq3A_82 : i32
    %convert_element_type3A_84 = arith.extui %eq3A_83 : i1 to i32
    %cond3A_85 = arith.constant 0 : i32
    %cond3A_86 = arith.cmpi ne, %convert_element_type3A_84, %cond3A_85 : i32
    scf.if %cond3A_86 {
      "tpu.region"() ({
        %run_scoped3A = tpu.sem_alloc : memref<!tpu.dma_semaphore, #tpu.memory_space<semaphore_mem>>
        %dma_start3A_98 = arith.constant 0 : i32
        %dma_start3A_99 = tpu.memref_slice %arg18[%dma_start3A_98] : memref<6144xf32, #tpu.memory_space<vmem>> -> memref<288xf32, #tpu.memory_space<vmem>>
        %dma_start3A_100 = arith.constant 499712 : i32
        %dma_start3A_101 = tpu.memref_slice %arg9[%dma_start3A_100] : memref<1509376xf32, #tpu.memory_space<vmem_shared>> -> memref<288xf32, #tpu.memory_space<vmem_shared>>
        %dma_start3A_102 = arith.constant 0 : i32
        %dma_start3A_103 = tpu.memref_slice %arg18[%dma_start3A_102] : memref<6144xf32, #tpu.memory_space<vmem>> -> memref<288xf32, #tpu.memory_space<vmem>>
        %dma_start3A_104 = arith.constant 499712 : i32
        %dma_start3A_105 = tpu.memref_slice %arg9[%dma_start3A_104] : memref<1509376xf32, #tpu.memory_space<vmem_shared>> -> memref<288xf32, #tpu.memory_space<vmem_shared>>
        tpu.enqueue_dma source(%dma_start3A_105 : memref<288xf32, #tpu.memory_space<vmem_shared>>) target(%dma_start3A_103 : memref<288xf32, #tpu.memory_space<vmem>>) target_semaphore(%run_scoped3A : memref<!tpu.dma_semaphore, #tpu.memory_space<semaphore_mem>>)
        %dma_wait3A = arith.constant 0 : i32
        %dma_wait3A_106 = tpu.memref_slice %arg18[%dma_wait3A] : memref<6144xf32, #tpu.memory_space<vmem>> -> memref<288xf32, #tpu.memory_space<vmem>>
        %dma_wait3A_107 = arith.constant 499712 : i32
        %dma_wait3A_108 = tpu.memref_slice %arg9[%dma_wait3A_107] : memref<1509376xf32, #tpu.memory_space<vmem_shared>> -> memref<288xf32, #tpu.memory_space<vmem_shared>>
        %dma_wait3A_109 = arith.constant 0 : i32
        %dma_wait3A_110 = tpu.memref_slice %arg18[%dma_wait3A_109] : memref<6144xf32, #tpu.memory_space<vmem>> -> memref<288xf32, #tpu.memory_space<vmem>>
        %dma_wait3A_111 = arith.constant 499712 : i32
        %dma_wait3A_112 = tpu.memref_slice %arg9[%dma_wait3A_111] : memref<1509376xf32, #tpu.memory_space<vmem_shared>> -> memref<288xf32, #tpu.memory_space<vmem_shared>>
        tpu.wait_dma2 semaphore(%run_scoped3A : memref<!tpu.dma_semaphore, #tpu.memory_space<semaphore_mem>>) src(%dma_wait3A_112 : memref<288xf32, #tpu.memory_space<vmem_shared>>) dst(%dma_wait3A_110 : memref<288xf32, #tpu.memory_space<vmem>>)
        tpu.yield
      }) : () -> ()
      "tpu.region"() ({
        %run_scoped3A = tpu.sem_alloc : memref<!tpu.dma_semaphore, #tpu.memory_space<semaphore_mem>>
        %dma_start3A_98 = arith.constant 1024 : i32
        %dma_start3A_99 = tpu.memref_slice %arg18[%dma_start3A_98] : memref<6144xf32, #tpu.memory_space<vmem>> -> memref<288xf32, #tpu.memory_space<vmem>>
        %dma_start3A_100 = arith.constant 999712 : i32
        %dma_start3A_101 = tpu.memref_slice %arg9[%dma_start3A_100] : memref<1509376xf32, #tpu.memory_space<vmem_shared>> -> memref<288xf32, #tpu.memory_space<vmem_shared>>
        %dma_start3A_102 = arith.constant 1024 : i32
        %dma_start3A_103 = tpu.memref_slice %arg18[%dma_start3A_102] : memref<6144xf32, #tpu.memory_space<vmem>> -> memref<288xf32, #tpu.memory_space<vmem>>
        %dma_start3A_104 = arith.constant 999712 : i32
        %dma_start3A_105 = tpu.memref_slice %arg9[%dma_start3A_104] : memref<1509376xf32, #tpu.memory_space<vmem_shared>> -> memref<288xf32, #tpu.memory_space<vmem_shared>>
        tpu.enqueue_dma source(%dma_start3A_105 : memref<288xf32, #tpu.memory_space<vmem_shared>>) target(%dma_start3A_103 : memref<288xf32, #tpu.memory_space<vmem>>) target_semaphore(%run_scoped3A : memref<!tpu.dma_semaphore, #tpu.memory_space<semaphore_mem>>)
        %dma_wait3A = arith.constant 1024 : i32
        %dma_wait3A_106 = tpu.memref_slice %arg18[%dma_wait3A] : memref<6144xf32, #tpu.memory_space<vmem>> -> memref<288xf32, #tpu.memory_space<vmem>>
        %dma_wait3A_107 = arith.constant 999712 : i32
        %dma_wait3A_108 = tpu.memref_slice %arg9[%dma_wait3A_107] : memref<1509376xf32, #tpu.memory_space<vmem_shared>> -> memref<288xf32, #tpu.memory_space<vmem_shared>>
        %dma_wait3A_109 = arith.constant 1024 : i32
        %dma_wait3A_110 = tpu.memref_slice %arg18[%dma_wait3A_109] : memref<6144xf32, #tpu.memory_space<vmem>> -> memref<288xf32, #tpu.memory_space<vmem>>
        %dma_wait3A_111 = arith.constant 999712 : i32
        %dma_wait3A_112 = tpu.memref_slice %arg9[%dma_wait3A_111] : memref<1509376xf32, #tpu.memory_space<vmem_shared>> -> memref<288xf32, #tpu.memory_space<vmem_shared>>
        tpu.wait_dma2 semaphore(%run_scoped3A : memref<!tpu.dma_semaphore, #tpu.memory_space<semaphore_mem>>) src(%dma_wait3A_112 : memref<288xf32, #tpu.memory_space<vmem_shared>>) dst(%dma_wait3A_110 : memref<288xf32, #tpu.memory_space<vmem>>)
        tpu.yield
      }) : () -> ()
      "tpu.region"() ({
        %run_scoped3A = tpu.sem_alloc : memref<!tpu.dma_semaphore, #tpu.memory_space<semaphore_mem>>
        %dma_start3A_98 = arith.constant 2048 : i32
        %dma_start3A_99 = tpu.memref_slice %arg18[%dma_start3A_98] : memref<6144xf32, #tpu.memory_space<vmem>> -> memref<288xf32, #tpu.memory_space<vmem>>
        %dma_start3A_100 = arith.constant 1499712 : i32
        %dma_start3A_101 = tpu.memref_slice %arg9[%dma_start3A_100] : memref<1509376xf32, #tpu.memory_space<vmem_shared>> -> memref<288xf32, #tpu.memory_space<vmem_shared>>
        %dma_start3A_102 = arith.constant 2048 : i32
        %dma_start3A_103 = tpu.memref_slice %arg18[%dma_start3A_102] : memref<6144xf32, #tpu.memory_space<vmem>> -> memref<288xf32, #tpu.memory_space<vmem>>
        %dma_start3A_104 = arith.constant 1499712 : i32
        %dma_start3A_105 = tpu.memref_slice %arg9[%dma_start3A_104] : memref<1509376xf32, #tpu.memory_space<vmem_shared>> -> memref<288xf32, #tpu.memory_space<vmem_shared>>
        tpu.enqueue_dma source(%dma_start3A_105 : memref<288xf32, #tpu.memory_space<vmem_shared>>) target(%dma_start3A_103 : memref<288xf32, #tpu.memory_space<vmem>>) target_semaphore(%run_scoped3A : memref<!tpu.dma_semaphore, #tpu.memory_space<semaphore_mem>>)
        %dma_wait3A = arith.constant 2048 : i32
        %dma_wait3A_106 = tpu.memref_slice %arg18[%dma_wait3A] : memref<6144xf32, #tpu.memory_space<vmem>> -> memref<288xf32, #tpu.memory_space<vmem>>
        %dma_wait3A_107 = arith.constant 1499712 : i32
        %dma_wait3A_108 = tpu.memref_slice %arg9[%dma_wait3A_107] : memref<1509376xf32, #tpu.memory_space<vmem_shared>> -> memref<288xf32, #tpu.memory_space<vmem_shared>>
        %dma_wait3A_109 = arith.constant 2048 : i32
        %dma_wait3A_110 = tpu.memref_slice %arg18[%dma_wait3A_109] : memref<6144xf32, #tpu.memory_space<vmem>> -> memref<288xf32, #tpu.memory_space<vmem>>
        %dma_wait3A_111 = arith.constant 1499712 : i32
        %dma_wait3A_112 = tpu.memref_slice %arg9[%dma_wait3A_111] : memref<1509376xf32, #tpu.memory_space<vmem_shared>> -> memref<288xf32, #tpu.memory_space<vmem_shared>>
        tpu.wait_dma2 semaphore(%run_scoped3A : memref<!tpu.dma_semaphore, #tpu.memory_space<semaphore_mem>>) src(%dma_wait3A_112 : memref<288xf32, #tpu.memory_space<vmem_shared>>) dst(%dma_wait3A_110 : memref<288xf32, #tpu.memory_space<vmem>>)
        tpu.yield
      }) : () -> ()
      %scan3A_87 = arith.constant 0 : i32
      %scan3A_88 = arith.constant 0 : i32
      %scan3A_89 = arith.constant 18 : i32
      %scan3A_90 = arith.addi %scan3A_88, %scan3A_89 : i32
      %scan3A_91 = arith.constant 1 : i32
      scf.for %scan3A_98 = %scan3A_88 to %scan3A_90 step %scan3A_91  : i32 {
        %mul3A_99 = arith.constant 16 : i32
        %mul3A_100 = arith.muli %scan3A_98, %mul3A_99 : i32
        %add3A_101 = arith.constant 0 : i32
        %add3A_102 = arith.addi %add3A_101, %mul3A_100 : i32
        %get3A_103 = arith.index_cast %add3A_102 : i32 to index
        %get3A_104 = tpu.vector_load %arg18[%get3A_103] {strides = array<i32>} : memref<6144xf32, #tpu.memory_space<vmem>>, vector<16xf32>,
        %get3A_105 = vector.shape_cast %get3A_104 : vector<16xf32> to vector<16xf32>
        %add3A_106 = arith.constant 1024 : i32
        %add3A_107 = arith.addi %add3A_106, %mul3A_100 : i32
        %get3A_108 = arith.index_cast %add3A_107 : i32 to index
        %get3A_109 = tpu.vector_load %arg18[%get3A_108] {strides = array<i32>} : memref<6144xf32, #tpu.memory_space<vmem>>, vector<16xf32>,
        %get3A_110 = vector.shape_cast %get3A_109 : vector<16xf32> to vector<16xf32>
        %add3A_111 = arith.constant 2048 : i32
        %add3A_112 = arith.addi %add3A_111, %mul3A_100 : i32
        %get3A_113 = arith.index_cast %add3A_112 : i32 to index
        %get3A_114 = tpu.vector_load %arg18[%get3A_113] {strides = array<i32>} : memref<6144xf32, #tpu.memory_space<vmem>>, vector<16xf32>,
        %get3A_115 = vector.shape_cast %get3A_114 : vector<16xf32> to vector<16xf32>
        %mul3A_116 = arith.mulf %get3A_105, %get3A_47 : vector<16xf32>
        %mul3A_117 = arith.mulf %get3A_110, %get3A_56 : vector<16xf32>
        %add3A_118 = arith.addf %mul3A_116, %mul3A_117 : vector<16xf32>
        %mul3A_119 = arith.mulf %get3A_115, %get3A_65 : vector<16xf32>
        %add3A_120 = arith.addf %add3A_118, %mul3A_119 : vector<16xf32>
        %add3A_121 = arith.constant 0 : i32
        %add3A_122 = arith.addi %add3A_121, %mul3A_100 : i32
        %swap3A = arith.index_cast %add3A_122 : i32 to index
        %swap3A_123 = tpu.vector_load %arg19[%swap3A] {strides = array<i32>} : memref<6144xf32, #tpu.memory_space<vmem>>, vector<16xf32>,
        %swap3A_124 = vector.shape_cast %swap3A_123 : vector<16xf32> to vector<16xf32>
        %swap3A_125 = vector.shape_cast %add3A_120 : vector<16xf32> to vector<16xf32>
        tpu.vector_store %arg19[%swap3A], %swap3A_125 {strides = array<i32>} : memref<6144xf32, #tpu.memory_space<vmem>>, vector<16xf32>,
        %mul3A_126 = arith.mulf %get3A_105, %get3A_50 : vector<16xf32>
        %mul3A_127 = arith.mulf %get3A_110, %get3A_59 : vector<16xf32>
        %add3A_128 = arith.addf %mul3A_126, %mul3A_127 : vector<16xf32>
        %mul3A_129 = arith.mulf %get3A_115, %get3A_68 : vector<16xf32>
        %add3A_130 = arith.addf %add3A_128, %mul3A_129 : vector<16xf32>
        %add3A_131 = arith.constant 1024 : i32
        %add3A_132 = arith.addi %add3A_131, %mul3A_100 : i32
        %swap3A_133 = arith.index_cast %add3A_132 : i32 to index
        %swap3A_134 = tpu.vector_load %arg19[%swap3A_133] {strides = array<i32>} : memref<6144xf32, #tpu.memory_space<vmem>>, vector<16xf32>,
        %swap3A_135 = vector.shape_cast %swap3A_134 : vector<16xf32> to vector<16xf32>
        %swap3A_136 = vector.shape_cast %add3A_130 : vector<16xf32> to vector<16xf32>
        tpu.vector_store %arg19[%swap3A_133], %swap3A_136 {strides = array<i32>} : memref<6144xf32, #tpu.memory_space<vmem>>, vector<16xf32>,
        %mul3A_137 = arith.mulf %get3A_105, %get3A_53 : vector<16xf32>
        %mul3A_138 = arith.mulf %get3A_110, %get3A_62 : vector<16xf32>
        %add3A_139 = arith.addf %mul3A_137, %mul3A_138 : vector<16xf32>
        %mul3A_140 = arith.mulf %get3A_115, %get3A_71 : vector<16xf32>
        %add3A_141 = arith.addf %add3A_139, %mul3A_140 : vector<16xf32>
        %add3A_142 = arith.constant 2048 : i32
        %add3A_143 = arith.addi %add3A_142, %mul3A_100 : i32
        %swap3A_144 = arith.index_cast %add3A_143 : i32 to index
        %swap3A_145 = tpu.vector_load %arg19[%swap3A_144] {strides = array<i32>} : memref<6144xf32, #tpu.memory_space<vmem>>, vector<16xf32>,
        %swap3A_146 = vector.shape_cast %swap3A_145 : vector<16xf32> to vector<16xf32>
        %swap3A_147 = vector.shape_cast %add3A_141 : vector<16xf32> to vector<16xf32>
        tpu.vector_store %arg19[%swap3A_144], %swap3A_147 {strides = array<i32>} : memref<6144xf32, #tpu.memory_space<vmem>>, vector<16xf32>,
      }
      %scan3A_92 = arith.constant 18 : i32
      %add3A = arith.constant 499712 : i32
      %add3A_93 = arith.addi %mul3A_0, %add3A : i32
      "tpu.region"() ({
        %run_scoped3A = tpu.sem_alloc : memref<!tpu.dma_semaphore, #tpu.memory_space<semaphore_mem>>
        %dma_start3A_98 = arith.constant 0 : i32
        %dma_start3A_99 = tpu.memref_slice %arg19[%dma_start3A_98] : memref<6144xf32, #tpu.memory_space<vmem>> -> memref<288xf32, #tpu.memory_space<vmem>>
        %dma_start3A_100 = tpu.memref_slice %arg6[%add3A_93] : memref<1000000xf32, #tpu.memory_space<hbm>> -> memref<288xf32, #tpu.memory_space<hbm>>
        %dma_start3A_101 = tpu.memref_slice %arg6[%add3A_93] : memref<1000000xf32, #tpu.memory_space<hbm>> -> memref<288xf32, #tpu.memory_space<hbm>>
        %dma_start3A_102 = arith.constant 0 : i32
        %dma_start3A_103 = tpu.memref_slice %arg19[%dma_start3A_102] : memref<6144xf32, #tpu.memory_space<vmem>> -> memref<288xf32, #tpu.memory_space<vmem>>
        tpu.enqueue_dma source(%dma_start3A_103 : memref<288xf32, #tpu.memory_space<vmem>>) target(%dma_start3A_101 : memref<288xf32, #tpu.memory_space<hbm>>) target_semaphore(%run_scoped3A : memref<!tpu.dma_semaphore, #tpu.memory_space<semaphore_mem>>)
        %dma_wait3A = arith.constant 0 : i32
        %dma_wait3A_104 = tpu.memref_slice %arg19[%dma_wait3A] : memref<6144xf32, #tpu.memory_space<vmem>> -> memref<288xf32, #tpu.memory_space<vmem>>
        %dma_wait3A_105 = tpu.memref_slice %arg6[%add3A_93] : memref<1000000xf32, #tpu.memory_space<hbm>> -> memref<288xf32, #tpu.memory_space<hbm>>
        %dma_wait3A_106 = tpu.memref_slice %arg6[%add3A_93] : memref<1000000xf32, #tpu.memory_space<hbm>> -> memref<288xf32, #tpu.memory_space<hbm>>
        %dma_wait3A_107 = arith.constant 0 : i32
        %dma_wait3A_108 = tpu.memref_slice %arg19[%dma_wait3A_107] : memref<6144xf32, #tpu.memory_space<vmem>> -> memref<288xf32, #tpu.memory_space<vmem>>
        tpu.wait_dma2 semaphore(%run_scoped3A : memref<!tpu.dma_semaphore, #tpu.memory_space<semaphore_mem>>) src(%dma_wait3A_108 : memref<288xf32, #tpu.memory_space<vmem>>) dst(%dma_wait3A_106 : memref<288xf32, #tpu.memory_space<hbm>>)
        tpu.yield
      }) : () -> ()
      %add3A_94 = arith.constant 499712 : i32
      %add3A_95 = arith.addi %mul3A_0, %add3A_94 : i32
      "tpu.region"() ({
        %run_scoped3A = tpu.sem_alloc : memref<!tpu.dma_semaphore, #tpu.memory_space<semaphore_mem>>
        %dma_start3A_98 = arith.constant 1024 : i32
        %dma_start3A_99 = tpu.memref_slice %arg19[%dma_start3A_98] : memref<6144xf32, #tpu.memory_space<vmem>> -> memref<288xf32, #tpu.memory_space<vmem>>
        %dma_start3A_100 = tpu.memref_slice %arg7[%add3A_95] : memref<1000000xf32, #tpu.memory_space<hbm>> -> memref<288xf32, #tpu.memory_space<hbm>>
        %dma_start3A_101 = tpu.memref_slice %arg7[%add3A_95] : memref<1000000xf32, #tpu.memory_space<hbm>> -> memref<288xf32, #tpu.memory_space<hbm>>
        %dma_start3A_102 = arith.constant 1024 : i32
        %dma_start3A_103 = tpu.memref_slice %arg19[%dma_start3A_102] : memref<6144xf32, #tpu.memory_space<vmem>> -> memref<288xf32, #tpu.memory_space<vmem>>
        tpu.enqueue_dma source(%dma_start3A_103 : memref<288xf32, #tpu.memory_space<vmem>>) target(%dma_start3A_101 : memref<288xf32, #tpu.memory_space<hbm>>) target_semaphore(%run_scoped3A : memref<!tpu.dma_semaphore, #tpu.memory_space<semaphore_mem>>)
        %dma_wait3A = arith.constant 1024 : i32
        %dma_wait3A_104 = tpu.memref_slice %arg19[%dma_wait3A] : memref<6144xf32, #tpu.memory_space<vmem>> -> memref<288xf32, #tpu.memory_space<vmem>>
        %dma_wait3A_105 = tpu.memref_slice %arg7[%add3A_95] : memref<1000000xf32, #tpu.memory_space<hbm>> -> memref<288xf32, #tpu.memory_space<hbm>>
        %dma_wait3A_106 = tpu.memref_slice %arg7[%add3A_95] : memref<1000000xf32, #tpu.memory_space<hbm>> -> memref<288xf32, #tpu.memory_space<hbm>>
        %dma_wait3A_107 = arith.constant 1024 : i32
        %dma_wait3A_108 = tpu.memref_slice %arg19[%dma_wait3A_107] : memref<6144xf32, #tpu.memory_space<vmem>> -> memref<288xf32, #tpu.memory_space<vmem>>
        tpu.wait_dma2 semaphore(%run_scoped3A : memref<!tpu.dma_semaphore, #tpu.memory_space<semaphore_mem>>) src(%dma_wait3A_108 : memref<288xf32, #tpu.memory_space<vmem>>) dst(%dma_wait3A_106 : memref<288xf32, #tpu.memory_space<hbm>>)
        tpu.yield
      }) : () -> ()
      %add3A_96 = arith.constant 499712 : i32
      %add3A_97 = arith.addi %mul3A_0, %add3A_96 : i32
      "tpu.region"() ({
        %run_scoped3A = tpu.sem_alloc : memref<!tpu.dma_semaphore, #tpu.memory_space<semaphore_mem>>
        %dma_start3A_98 = arith.constant 2048 : i32
        %dma_start3A_99 = tpu.memref_slice %arg19[%dma_start3A_98] : memref<6144xf32, #tpu.memory_space<vmem>> -> memref<288xf32, #tpu.memory_space<vmem>>
        %dma_start3A_100 = tpu.memref_slice %arg8[%add3A_97] : memref<1000000xf32, #tpu.memory_space<hbm>> -> memref<288xf32, #tpu.memory_space<hbm>>
        %dma_start3A_101 = tpu.memref_slice %arg8[%add3A_97] : memref<1000000xf32, #tpu.memory_space<hbm>> -> memref<288xf32, #tpu.memory_space<hbm>>
        %dma_start3A_102 = arith.constant 2048 : i32
        %dma_start3A_103 = tpu.memref_slice %arg19[%dma_start3A_102] : memref<6144xf32, #tpu.memory_space<vmem>> -> memref<288xf32, #tpu.memory_space<vmem>>
        tpu.enqueue_dma source(%dma_start3A_103 : memref<288xf32, #tpu.memory_space<vmem>>) target(%dma_start3A_101 : memref<288xf32, #tpu.memory_space<hbm>>) target_semaphore(%run_scoped3A : memref<!tpu.dma_semaphore, #tpu.memory_space<semaphore_mem>>)
        %dma_wait3A = arith.constant 2048 : i32
        %dma_wait3A_104 = tpu.memref_slice %arg19[%dma_wait3A] : memref<6144xf32, #tpu.memory_space<vmem>> -> memref<288xf32, #tpu.memory_space<vmem>>
        %dma_wait3A_105 = tpu.memref_slice %arg8[%add3A_97] : memref<1000000xf32, #tpu.memory_space<hbm>> -> memref<288xf32, #tpu.memory_space<hbm>>
        %dma_wait3A_106 = tpu.memref_slice %arg8[%add3A_97] : memref<1000000xf32, #tpu.memory_space<hbm>> -> memref<288xf32, #tpu.memory_space<hbm>>
        %dma_wait3A_107 = arith.constant 2048 : i32
        %dma_wait3A_108 = tpu.memref_slice %arg19[%dma_wait3A_107] : memref<6144xf32, #tpu.memory_space<vmem>> -> memref<288xf32, #tpu.memory_space<vmem>>
        tpu.wait_dma2 semaphore(%run_scoped3A : memref<!tpu.dma_semaphore, #tpu.memory_space<semaphore_mem>>) src(%dma_wait3A_108 : memref<288xf32, #tpu.memory_space<vmem>>) dst(%dma_wait3A_106 : memref<288xf32, #tpu.memory_space<hbm>>)
        tpu.yield
      }) : () -> ()
    } else {
    }
    return
  }
}

</mosaic_0001>

<sc_bundles>
// kernel: kernel.3.cloned.1.call-start
scs
__scs_entry_jumppad:
0x0: {  	(pc) =	sbr.rel $0x88, $3  }
0x1: {  	(tag) =	ssettag $0x0;
	lr =	simm.s32 $0x1  }
0x2: {  	[smem:$0x3F9D] =	sst lr;
	_ =	strace $0xD0000000  }
0x3: {  	_ = 	snop  }
0x4: {  	_ = 	snop  }
0x5: {  	_ = 	snop  }
0x6: {  	_ = 	snop  }
0x7: {  	_ = 	snop  }
__scs_overlays_trampoline_lowered:
0x8: {  	[smem:$0x3FAC] =	sst s0  }
0x9: {  	[smem:$0x3FAD] =	sst s1  }
0xa: {  	[smem:$0x3FAE] =	sst s2  }
0xb: {  	[smem:$0x3FAF] =	sst s3  }
0xc: {  	[smem:$0x3FB0] =	sst s4  }
0xd: {  	[smem:$0x3FB1] =	sst s5  }
0xe: {  	[smem:$0x3FB2] =	sst s6  }
0xf: {  	[smem:$0x3FB3] =	sst s7  }
0x10: {  	[smem:$0x3FB4] =	sst s8  }
0x11: {  	[smem:$0x3FB5] =	sst s9;
	s0 =	simm.s32 @!p0 $0x0  }
0x12: {  	s1 =	sld [smem:$0x3F9B];
	s0 =	simm.s32 @p0 $0x1  }
0x13: {  	[smem:$0x3FB6] =	sst s0;
	s0 =	simm.s32 @!p1 $0x0  }
0x14: {  	s2 =	sld [smem:$0x3F9A];
	s0 =	simm.s32 @p1 $0x1  }
0x15: {  	[smem:$0x3FB7] =	sst s0;
	s0 =	simm.s32 @!p2 $0x0  }
0x16: {  	s3 =	sld [smem:$0x3FDB];
	s0 =	simm.s32 @p2 $0x1  }
0x17: {  	s4 =	simm.s32 $0x1BF5;
	[smem:$0x3FB9] =	sst s0  }
0x18: {  	s0 =	sld [smem:$0x3F9C];
	_ =	swait.ge [sflag:s4], $0x0  }
0x19: {  	s7 =	sld [smem:$0x3F9D]  }
0x1a: {  	s8 =	sadd.s32 $0xFFFFE003, lr  }
0x1b: {  	s9 =	sadd.s32 $0xFFFFFEF7, lr;
	s5 =	simm.s32 $0xFFFFFFFF;
	p2 =	slt.u32 s8, $0xFFFFF086  }
0x1c: {  	p1 =	slt.u32 s9, $0xF7A;
	s5 =	simm.s32 @!p2 $0x0  }
0x1d: {  	s5 =	simm.s32 @p1 $0x1;
	p0 =	seq.s32 s7, s2  }
0x1e: {  	s7 =	smul.u32 @!p0 $0xF7A, s2;
	p2 =	seq.s32 @!p0 s5, $0x0  }
0x1f: {  	s9 =	smul.u32 $0xF7A, s1;
	s8 =	simm.s32 @!p0 $0x1BF5;
	p2 =	por !p2, p0  }
0x20: {  	[sflag:s8] =	ssyncset.s32 @!p0 $0xFFFFF086;
	s6 =	sadd.s32 @!p0 s3, s7;
	s7 =	simm.s32 @!p0 $0x108  }
0x21: {  	s3 =	sadd.s32 s3, s9;
	s6 =	sadd.s32 @!p0 $0x88, s6;
	s7 =	simm.s32 @p2 $0x1082  }
0x22: {  	[simem:s7], [sflag:s8] =	dma.local @!p0 [hbm:s6], $0xF7A  }
0x23: {  	s9 =	sor.u32 $0xD0000000, s2;
	s6 =	simm.s32 $0x108;
	_ =	swait.ge @!p0 [sflag:s8], $0x0  }
0x24: {  	s3 =	sadd.s32 $0x88, s3;
	s6 =	simm.s32 @!p1 $0x1082;
	[sflag:s4] =	ssyncset.s32 $0xFFFFF086  }
0x25: {  	[simem:s6], [sflag:s4] =	dma.local [hbm:s3], $0xF7A  }
0x26: {  	[smem:$0x3F9D] =	sst s1;
	(tag) =	ssettag s2;
	_ =	strace s9  }
0x27: {  	s1 =	sld [smem:$0x3FAD]  }
0x28: {  	s2 =	sld [smem:$0x3FAE]  }
0x29: {  	s4 =	sld [smem:$0x3FB0]  }
0x2a: {  	p0 =	seq.s32 s5, $0x0;
	s5 =	sld [smem:$0x3FB1]  }
0x2b: {  	s6 =	sld [smem:$0x3FB2]  }
0x2c: {  	s7 =	sld [smem:$0x3FB3]  }
0x2d: {  	s3 =	simm.s32 $0x108;
	s8 =	sld [smem:$0x3FB4]  }
0x2e: {  	s3 =	simm.s32 @!p0 $0x1082;
	s9 =	sld [smem:$0x3FB5]  }
0x2f: {  	lr =	sadd.s32 s0, s3;
	s0 =	sld [smem:$0x3FAC]  }
0x30: {  	s3 =	sld [smem:$0x3FAF]  }
0x31: {  	[smem:$0x3FB8] =	sst s10  }
0x32: {  	s10 =	sld [smem:$0x3FB6];
	_ =	sdelay $0x3  }
0x33: {  	p0 =	seq.s32 s10, $0x1;
	s10 =	sld [smem:$0x3FB8];
	_ =	sdelay $0x3  }
0x34: {  	[smem:$0x3FB8] =	sst s10  }
0x35: {  	s10 =	sld [smem:$0x3FB7];
	_ =	sdelay $0x3  }
0x36: {  	p1 =	seq.s32 s10, $0x1;
	s10 =	sld [smem:$0x3FB8];
	_ =	sdelay $0x3  }
0x37: {  	[smem:$0x3FB8] =	sst s10  }
0x38: {  	s10 =	sld [smem:$0x3FB9]  }
0x39: {  	_ = 	snop;
	(pc) =	sbr.ind lr, $3  }
0x3a: {  	_ = 	snop  }
0x3b: {  	_ = 	snop  }
0x3c: {  	p2 =	seq.s32 s10, $0x1;
	s10 =	sld [smem:$0x3FB8]  }
0x3d: {  	_ =	shalt  }
0x3e: {  	_ =	shalt  }
0x3f: {  	_ =	shalt  }
0x40: {  	_ =	shalt  }
0x41: {  	_ =	shalt  }
0x42: {  	_ =	shalt  }
0x43: {  	_ =	shalt  }
0x44: {  	_ =	shalt  }
0x45: {  	_ =	shalt  }
0x46: {  	_ =	shalt  }
0x47: {  	_ =	shalt  }
0x48: {  	_ =	shalt  }
0x49: {  	_ =	shalt  }
0x4a: {  	_ =	shalt  }
0x4b: {  	_ =	shalt  }
0x4c: {  	_ =	shalt  }
0x4d: {  	_ =	shalt  }
0x4e: {  	_ =	shalt  }
0x4f: {  	_ =	shalt  }
0x50: {  	_ =	shalt  }
0x51: {  	_ =	shalt  }
0x52: {  	_ =	shalt  }
0x53: {  	_ =	shalt  }
0x54: {  	_ =	shalt  }
0x55: {  	_ =	shalt  }
0x56: {  	_ =	shalt  }
0x57: {  	_ =	shalt  }
0x58: {  	_ =	shalt  }
0x59: {  	_ =	shalt  }
0x5a: {  	_ =	shalt  }
0x5b: {  	_ =	shalt  }
0x5c: {  	_ =	shalt  }
0x5d: {  	_ =	shalt  }
0x5e: {  	_ =	shalt  }
0x5f: {  	_ =	shalt  }
0x60: {  	_ =	shalt  }
0x61: {  	_ =	shalt  }
0x62: {  	_ =	shalt  }
0x63: {  	_ =	shalt  }
0x64: {  	_ =	shalt  }
0x65: {  	_ =	shalt  }
0x66: {  	_ =	shalt  }
0x67: {  	_ =	shalt  }
0x68: {  	_ =	shalt  }
0x69: {  	_ =	shalt  }
0x6a: {  	_ =	shalt  }
0x6b: {  	_ =	shalt  }
0x6c: {  	_ =	shalt  }
0x6d: {  	_ =	shalt  }
0x6e: {  	_ =	shalt  }
0x6f: {  	_ =	shalt  }
0x70: {  	_ =	shalt  }
0x71: {  	_ =	shalt  }
0x72: {  	_ =	shalt  }
0x73: {  	_ =	shalt  }
0x74: {  	_ =	shalt  }
0x75: {  	_ =	shalt  }
0x76: {  	_ =	shalt  }
0x77: {  	_ =	shalt  }
0x78: {  	_ =	shalt  }
0x79: {  	_ =	shalt  }
0x7a: {  	_ =	shalt  }
0x7b: {  	_ =	shalt  }
0x7c: {  	_ =	shalt  }
0x7d: {  	_ =	shalt  }
0x7e: {  	_ =	shalt  }
0x7f: {  	_ =	shalt  }
0x80: {  	_ =	shalt  }
0x81: {  	_ =	shalt  }
0x82: {  	_ =	shalt  }
0x83: {  	_ =	shalt  }
0x84: {  	_ =	shalt  }
0x85: {  	_ =	shalt  }
0x86: {  	_ =	shalt  }
0x87: {  	_ =	shalt  }
.Lfunc_end0:
.L_simem_size_0:
called_computation_lowered:
.L_overlay_start_0:
0x88: {  	s2 =	sld [smem:$0x3FD9]  }
0x89: {  	s3 =	sld [smem:$0x3FFE];
	_ =	sdelay $0x1  }
0x8a: {  	s1 =	srdreg.scid  }
0x8b: {  	s0 =	sand.u32 $0x1, s1  }
0x8c: {  	s17 =	sshll.u32 s0, $0xA;
	s2 =	sadd.s32 s3, s2  }
0x8d: {  	s2 =	sadd.s32 s2, s17  }
0x8e: {  	[smem:$0x3FC4] =	sst s2  }
0x8f: {  	_ = 	snop  }
0x90: {  	s2 =	sld [smem:$0x3FC9]  }
0x91: {  	s18 =	sld [smem:$0x3FC8]  }
0x92: {  	s4 =	sld [smem:$0x3FC7]  }
0x93: {  	s5 =	sld [smem:$0x3FD0];
	(tm) =	ssettm $0x1  }
0x94: {  	s6 =	sld [smem:$0x3FFB];
	_ =	sdelay $0x3  }
0x95: {  	_ =	strace s6  }
0x96: {  	s6 =	sld [smem:$0x3FFC];
	_ =	sdelay $0x3  }
0x97: {  	_ =	strace s6  }
0x98: {  	s6 =	sld [smem:$0x3FFD];
	_ =	sdelay $0x3  }
0x99: {  	_ =	strace s6  }
0x9a: {  	_ =	strace $0x8FFFFFFF  }
0x9b: {  	s19 =	sld [smem:$0x3FDB];
	_ =	sdelay $0x1  }
0x9c: {  	s7 =	simm.s32 $_scs_section_size  }
0x9d: {  	s8 =	simm.s32 $_size__tile_overlayer_lowered;
	s9 =	simm.s32 $_tile_overlayer_lowered  }
0x9e: {  	s22 =	simm.s32 $0x1BFF;
	s21 =	sshll.u32 s9, $0x1;
	s6 =	sadd.s32 s7, s19  }
0x9f: {  	s10 =	simm.s32 $0x0;
	s20 =	sshll.u32 s8, $0x1;
	s8 =	sadd.s32 s21, s6  }
0xa0: {  	[timem:s10], [sflag:s22] =	dma.local [hbm:s8], s20  }
0xa1: {  	_ =	swait.ge [sflag:s22], s20  }
0xa2: {  	s7 =	ssub.s32 $0x0, s20;
	[sflag:s22] =	ssyncset.done $0x0  }
0xa3: {  	[sflag:s22] =	ssyncadd.s32 s7;
	_ =	sdelay $0x1  }
0xa4: {  	s23 =	simm.s32 $0x1B8B  }
0xa5: {  	_ =	swait.ge [sflag:s23], $0x1  }
0xa6: {  	[sflag:s23] =	ssyncset.done $0x0  }
0xa7: {  	s25 =	simm.s32 $0x1B8E;
	s24 =	sld [smem:$0x3FFE];
	[sflag:s23] =	ssyncadd.s32 $0xFFFFFFFF  }
0xa8: {  	s26 =	simm.s32 $execute0_lowered;
	[smem:$0x3FD2] =	sst s25  }
0xa9: {  	s8 =	sshll.u32 s26, $0x1;
	_ =	strace $0x80000046;
	[dreg:$0x1] =	wrdreg $0xFFFFFFFF  }
0xaa: {  	s28 =	simm.s32 $_size_execute0_lowered;
	s6 =	sadd.s32 s6, s8;
	[dreg:$0x0] =	wrdreg $0x0  }
0xab: {  	s8 =	sshll.u32 s28, $0x1;
	[dreg:$0x2] =	wrdreg s6  }
0xac: {  	[dreg:$0x3] =	wrdreg s8  }
0xad: {  	[dreg:$0x4] =	wrdreg $0xC0  }
0xae: {  	_ =	task [dreg:s10], $0x5FFFF  }
0xaf: {  	[dreg:$0x1] =	wrdreg $0xFFFFFFFF  }
0xb0: {  	[dreg:$0x0] =	wrdreg $0x60  }
0xb1: {  	[dreg:$0x2] =	wrdreg s2  }
0xb2: {  	[dreg:$0x3] =	wrdreg s18  }
0xb3: {  	[dreg:$0x4] =	wrdreg s4  }
0xb4: {  	[dreg:$0x5] =	wrdreg s5  }
0xb5: {  	[dreg:$0x6] =	wrdreg s24  }
0xb6: {  	[dreg:$0x7] =	wrdreg $0x0  }
0xb7: {  	[dreg:$0x8] =	wrdreg $0x9  }
0xb8: {  	_ =	task.clear_ibuf [dreg:s10], $0x9FFFF;
	_ =	strace $0x90000046  }
0xb9: {  	s29 =	simm.s32 $0x9;
	_ =	strace $0x80000048  }
0xba: {  	_ =	swait.ge [sflag:s29], $0x1  }
0xbb: {  	[sflag:s29] =	ssyncadd.s32 $0xFFFFFFFF  }
0xbc: {  	_ =	strace $0x90000048  }
0xbd: {  	_ =	sfence  }
0xbe: {  	s30 =	sld [smem:$0x0];
	_ =	sdelay $0x2  }
0xbf: {  	s31 =	sshll.u32 s1, $0xD;
	s1 =	sshrl.u32 s1, $0x2  }
0xc0: {  	s3 =	sand.u32 $0x4000, s31;
	s1 =	sadd.s32 s1, s30  }
0xc1: {  	s0 =	sor.u32 s3, s0;
	s1 =	sshll.u32 s1, $0x11  }
0xc2: {  	s0 =	sor.u32 s1, s0  }
0xc3: {  	s0 =	sadd.s32 $0x8F2B, s0  }
0xc4: {  	[sflag:s0] =	ssyncadd.remote.s32 $0x1  }
0xc5: {  	_ =	sfence.sel $0xFFFF  }
0xc6: {  	[dreg:$0x0] =	wrdreg $0xFFFFFFFF;
	(pc) =	sbr.abs _section_cstart, $3  }
0xc7: {  	[dreg:$0x1] =	wrdreg $0xFFFFFFFF  }
0xc8: {  	_ =	task.clear_ibuf [dreg:s10], $0x2FFFF;
	_ =	strace $0x9FFFFFFF  }
0xc9: {  	(tm) =	ssettm $0x7FFFFFFF  }
tec
execute0_lowered:
.L_overlay_start_1:
0x0: {  	(tag) =	ssettag $0x1  }
0x1: {  	s1 =	rddreg [dreg:$0x0]  }
0x2: {  	s2 =	rddreg [dreg:$0x1]  }
0x3: {  	s3 =	rddreg [dreg:$0x2]  }
0x4: {  	s0 =	rddreg [dreg:$0x4]  }
0x5: {  	s5 =	rddreg [dreg:$0x5];
	s6 =	simm.s32 $0x0  }
0x6: {  	s4 =	srdreg.scid;
	s7 =	stileid.u32;
	s29 =	simm.s32 $0x8  }
0x7: {  	[smem:$0x7FF] =	sst s6;
	s4 =	sand.u32 $0x1, s4;
	s8 =	sadd.s32 $0xA00, s0  }
0x8: {  	s9 =	sadd.s32 $0x1F400, s0;
	s10 =	sadd.s32 $0x3DE00, s0;
	s31 =	sshll.u32 s7, $0x8  }
0x9: {  	s16 =	sadd.s32 $0x3D000, s1;
	s17 =	sadd.s32 $0x3D000, s2;
	s18 =	sshll.u32 s7, $0xA  }
0xa: {  	s25 =	sshll.u32 s7, $0xB;
	_ =	strace $0x80000047;
	[dreg:$0xa] =	wrdreg s16  }
0xb: {  	p0 =	sne.s32 s7, $0xF;
	s28 =	sadd.s32 $0x7A000, s5;
	[dreg:$0xb] =	wrdreg s17  }
0xc: {  	s11 =	ssub.s32 $0x2, s4;
	s13 =	sadd.s32 s1, s31;
	[dreg:$0x15] =	wrdreg s28  }
0xd: {  	s14 =	sadd.s32 s2, s31;
	s15 =	sadd.s32 s3, s31;
	[dreg:$0x7] =	wrdreg s13  }
0xe: {  	s20 =	sadd.s32 s18, s5;
	s31 =	sadd.s32 $0x16E240, s5;
	[dreg:$0x8] =	wrdreg s14  }
0xf: {  	s16 =	simm.s32 $0x1;
	s17 =	simm.s32 $0x800;
	[dreg:$0x9] =	wrdreg s15  }
0x10: {  	s18 =	simm.s32 $0x1A880;
	s12 =	sshrl.u32 s11, $0x1;
	[dreg:$0xd] =	wrdreg s20  }
0x11: {  	s15 =	ssub.s32 $0x2E1, s7;
	s13 =	sadd.s32 $0x3D000, s3;
	[dreg:$0x17] =	wrdreg s31  }
0x12: {  	s22 =	sadd.s32 $0x7A120, s20;
	s26 =	sadd.s32 $0xF4240, s20;
	[dreg:$0xc] =	wrdreg s13  }
0x13: {  	s14 =	simm.s32 $0x5;
	s30 =	ssub.s32 s11, s12;
	[dreg:$0xe] =	wrdreg s22  }
0x14: {  	s11 =	smul.u32 $0x7A120, s4;
	[dreg:$0x14] =	wrdreg s26;
	s22 =	simm.s32 $0x3  }
0x15: {  	s13 =	simm.s32 $0x0;
	s0 =	smax.u32 s30, $0x1;
	s30 =	sadd.s32 $0xF4120, s5  }
0x16: {  	s19 =	sshrl.u32 s11, $0x3;
	[dreg:$0x12] =	wrdreg s0;
	s0 =	sadd.s32 s25, s5  }
.Ltmp0:
0x17: {  	[dreg:$0x16] =	wrdreg s30;
	s21 =	sadd.s32 $0xF400, s19;
	(pc) =	sbr.rel .LBB2_1-.Ltmp0, $4  }
0x18: {  	s25 =	simm.s32 $0x6;
	[dreg:$0x13] =	wrdreg s0;
	s23 =	sadd.s32 s8, s21  }
0x19: {  	s0 =	simm.s32 $0x18880;
	s24 =	sadd.s32 s9, s21;
	[dreg:$0xf] =	wrdreg s23  }
0x1a: {  	v2 =	vlaneseq.u32;
	s19 =	simm.s32 $0x7;
	s4 =	sadd.s32 s10, s21;
	[dreg:$0x10] =	wrdreg s24  }
0x1b: {  	v1 =	vimm.f32 $0.0e+00;
	v2 =	vor.u32 $0x16E360, v2;
	v0 =	vmov s11;
	s21 =	simm.s32 $0x2;
	[dreg:$0x11] =	wrdreg s4;
	s4 =	simm.s32 $0x19880  }
.LBB2_35:
0x1c: {  	s13 =	sadd.s32 $0x1, s13;
	s12 =	rddreg [dreg:$0x12]  }
0x1d: {  	p1 =	sne.s32 s13, s12  }
.Ltmp1:
0x1e: {  	_ = 	snop;
	(pc) =	sbr.rel @!p1 .LBB2_36-.Ltmp1, $1  }
0x1f: {  	_ =	sdelay $0x3  }
.LBB2_1:
0x20: {  	[dreg:$0x18] =	wrdreg s13  }
0x21: {  	s12 =	rddreg [dreg:$0x7];
	s28 =	simm.s32 $0x17880  }
0x22: {  	[tilespmem:s28], [sflag:$0x1] =	stream.linear.gather [hbm4b:s12+s6], $0x800, $0x38;
	[tilespmem:$0x1EE00] =	vst v63  }
0x23: {  	s30 =	rddreg [dreg:$0x8]  }
0x24: {  	[tilespmem:s0], [sflag:$0x1] =	stream.linear.gather [hbm4b:s30+s6], $0x800, $0x38;
	[tilespmem:$0x1EE00] =	vst v63  }
0x25: {  	s31 =	rddreg [dreg:$0x9];
	s13 =	simm.s32 $0x0;
	s12 =	simm.s32 $0x40  }
0x26: {  	[tilespmem:s4], [sflag:$0x1] =	stream.linear.gather [hbm4b:s31+s6], $0x800, $0x38;
	[tilespmem:$0x1EE00] =	vst v63  }
.LBB2_2:
0x27: {  	p1 =	sne.s32 s12, $0x1FC0;
	[tilespmem:s13+$0x17080] =	vst v1;
	s13 =	smov.u32 s12;
	s12 =	sadd.s32 $0x40, s12  }
.Ltmp2:
0x28: {  	(pc) =	sbr.rel @p1 .LBB2_2-.Ltmp2, $2  }
0x29: {  	_ =	sdelay $0x2  }
0x2a: {  	s13 =	sshra.s32 s13, $0x2  }
0x2b: {  	s12 =	sadd.s32 $0x0, s7  }
0x2c: {  	s20 =	rddreg [dreg:$0x13];
	p1 =	sgt.u32 s12, $0x2E0  }
0x2d: {  	[tilespmem:s13+$0x17080] =	vst v1;
	s12 =	simm.s32 $0x10;
	s13 =	sadd.s32 $0x8000, s20;
	s23 =	simm.s32 @!p1 $0x17080  }
.LBB2_4:
0x2e: {  	[spmem:s20] =	stream.linear.scatter @!p1 [tilespmem:s23], [sflag:$0x7], $0x800, $0x38;
	[tilespmem:$0x1EE00] =	vst v63  }
0x2f: {  	s23 =	smov.u32 s12;
	s12 =	sadd.s32 $0x10, s12  }
0x30: {  	p2 =	sne.s32 s12, $0x2F0  }
.Ltmp3:
0x31: {  	(pc) =	sbr.rel @p2 .LBB2_4-.Ltmp3, $4  }
0x32: {  	s20 =	smov.u32 s13  }
0x33: {  	s23 =	sadd.s32 s23, s7  }
0x34: {  	p1 =	sgt.u32 s23, $0x2E0  }
0x35: {  	s13 =	sadd.s32 $0x8000, s13;
	s23 =	simm.s32 @!p1 $0x17080  }
0x36: {  	[spmem:s20] =	stream.linear.scatter @!p1 [tilespmem:s23], [sflag:$0x7], $0x800, $0x38;
	[tilespmem:$0x1EE00] =	vst v63  }
0x37: {  	p1 =	sle.u32 s15, $0x0  }
0x38: {  	s13 =	simm.s32 @!p1 $0x7  }
0x39: {  	_ =	swait.ge @!p1 [sflag:s13], $0x800  }
0x3a: {  	s12 =	simm.s32 $0x10;
	[sflag:s13] =	ssyncset.done @!p1 $0x0  }
.LBB2_6:
0x3b: {  	[sflag:s13] =	ssyncadd.s32 @!p1 $0xFFFFF800;
	s13 =	smov.u32 s12;
	s12 =	sadd.s32 $0x10, s12  }
0x3c: {  	p2 =	sne.s32 s12, $0x2F0  }
.Ltmp4:
0x3d: {  	(pc) =	sbr.rel @p2 .LBB2_6-.Ltmp4, $4  }
0x3e: {  	p1 =	sge.u32 s13, s15  }
0x3f: {  	s13 =	simm.s32 @!p1 $0x7  }
0x40: {  	_ =	swait.ge @!p1 [sflag:s13], $0x800  }
0x41: {  	[sflag:s13] =	ssyncset.done @!p1 $0x0  }
.Ltmp5:
0x42: {  	(pc) =	sbr.rel .LBB2_8-.Ltmp5, $4  }
0x43: {  	_ = 	snop  }
0x44: {  	[sflag:s13] =	ssyncadd.s32 @!p1 $0xFFFFF800  }
0x45: {  	[bflag:$0x0] =	sbarrier.arrive $0xFFFF  }
0x46: {  	s12 =	simm.s32 $0x0;
	s13 =	simm.s32 $0x0  }
.LBB2_14:
0x47: {  	_ =	swait.ge [sflag:s22], $0x800  }
0x48: {  	[sflag:s22] =	ssyncset.done $0x0  }
0x49: {  	[sflag:s22] =	ssyncadd.s32 $0xFFFFF800  }
.LBB2_15:
0x4a: {  	s13 =	sadd.s32 $0x1, s13  }
0x4b: {  	p1 =	sne.s32 s13, $0x1F  }
.Ltmp6:
0x4c: {  	_ = 	snop;
	(pc) =	sbr.rel @!p1 .LBB2_16-.Ltmp6, $1  }
0x4d: {  	_ =	sdelay $0x3  }
.LBB2_8:
0x4e: {  	s20 =	sshll.u32 s13, $0x5;
	p2 =	seq.s32 s13, $0x0  }
0x4f: {  	s30 =	sor.u32 s7, s20;
	s20 =	simm.s32 @!p2 $0x4  }
0x50: {  	s23 =	sor.u32 $0x10, s30;
	_ =	swait.ge @!p2 [sflag:s20], $0x800  }
0x51: {  	[sflag:s20] =	ssyncset.done @!p2 $0x0;
	p1 =	sgt.u32 s23, $0x3CF  }
0x52: {  	[sflag:s20] =	ssyncadd.s32 @!p2 $0xFFFFF800;
	s20 =	sshll.u32 @!p1 s23, $0x8  }
0x53: {  	s24 =	simm.s32 @!p1 $0x0;
	s26 =	simm.s32 @!p1 $0x18080;
	s23 =	sadd.s32 @!p1 s1, s20  }
0x54: {  	[tilespmem:s26], [sflag:$0x2] =	stream.linear.gather @!p1 [hbm4b:s23+s24], $0x800, $0x38;
	[tilespmem:$0x1EE00] =	vst v63  }
0x55: {  	s23 =	sadd.s32 @!p1 s2, s20;
	s26 =	simm.s32 @!p1 $0x19080  }
0x56: {  	[tilespmem:s26], [sflag:$0x2] =	stream.linear.gather @!p1 [hbm4b:s23+s24], $0x800, $0x38;
	[tilespmem:$0x1EE00] =	vst v63  }
0x57: {  	s20 =	sadd.s32 @!p1 s3, s20;
	s23 =	simm.s32 @!p1 $0x1A080  }
0x58: {  	[tilespmem:s23], [sflag:$0x2] =	stream.linear.gather @!p1 [hbm4b:s20+s24], $0x800, $0x38;
	[tilespmem:$0x1EE00] =	vst v63  }
0x59: {  	_ =	swait.ge [sflag:s16], $0x800  }
0x5a: {  	[sflag:s16] =	ssyncset.done $0x0  }
0x5b: {  	[sflag:s16] =	ssyncadd.s32 $0xFFFFF800  }
0x5c: {  	_ =	swait.ge [sflag:s16], $0x800  }
0x5d: {  	[sflag:s16] =	ssyncset.done $0x0  }
0x5e: {  	[sflag:s16] =	ssyncadd.s32 $0xFFFFF800  }
0x5f: {  	_ =	swait.ge [sflag:s16], $0x800  }
0x60: {  	[sflag:s16] =	ssyncset.done $0x0  }
0x61: {  	s23 =	simm.s32 $0x188A0;
	[sflag:s16] =	ssyncadd.s32 $0xFFFFF800  }
0x62: {  	s28 =	simm.s32 $0x178A0;
	v3 =	vld [tilespmem:s23+$0xFFFFFFE0]  }
0x63: {  	v4 =	vld [tilespmem:s28+$0xFFFFFFE0];
	_ =	sdelay $0x3  }
0x64: {  	v3 =	vmul.u32 $0x7A120, v3  }
0x65: {  	v4 =	vsub.s32 v4, v0  }
0x66: {  	vm0 =	vlt.u32 v4, $0x7A120;
	v3 =	vadd.s32 v4, v3;
	v4 =	vadd.s32 s12, v2  }
0x67: {  	s20 =	simm.s32 $0x1A8A0;
	v3 =	vsel vm0, v3, v4  }
0x68: {  	[tilespmem:s20+$0xFFFFFFE0] =	vst v3  }
0x69: {  	v3 =	vld [tilespmem:s23+$0xFFFFFFF0]  }
0x6a: {  	v4 =	vld [tilespmem:s28+$0xFFFFFFF0];
	_ =	sdelay $0x3  }
0x6b: {  	v3 =	vmul.u32 $0x7A120, v3  }
0x6c: {  	s31 =	simm.s32 $0x10;
	v4 =	vsub.s32 v4, v0  }
0x6d: {  	vm13 =	vlt.u32 v4, $0x7A120;
	v3 =	vadd.s32 v4, v3;
	v4 =	vadd.s32 s31, v2  }
0x6e: {  	v3 =	vsel vm13, v3, v4  }
0x6f: {  	[tilespmem:s20+$0xFFFFFFF0] =	vst v3  }
0x70: {  	v3 =	vld [tilespmem:s23+$0x0]  }
0x71: {  	v4 =	vld [tilespmem:s28+$0x0];
	_ =	sdelay $0x3  }
0x72: {  	v3 =	vmul.u32 $0x7A120, v3  }
0x73: {  	s26 =	simm.s32 $0x20;
	v4 =	vsub.s32 v4, v0  }
0x74: {  	vm14 =	vlt.u32 v4, $0x7A120;
	v3 =	vadd.s32 v4, v3;
	v4 =	vadd.s32 s26, v2  }
0x75: {  	v3 =	vsel vm14, v3, v4  }
0x76: {  	[tilespmem:s20+$0x0] =	vst v3  }
0x77: {  	v3 =	vld [tilespmem:s23+$0x10]  }
0x78: {  	v4 =	vld [tilespmem:s28+$0x10];
	_ =	sdelay $0x3  }
0x79: {  	v3 =	vmul.u32 $0x7A120, v3  }
0x7a: {  	s31 =	simm.s32 $0x30;
	v4 =	vsub.s32 v4, v0  }
0x7b: {  	vm15 =	vlt.u32 v4, $0x7A120;
	v3 =	vadd.s32 v4, v3;
	v4 =	vadd.s32 s31, v2  }
0x7c: {  	s24 =	simm.s32 $0x40;
	v3 =	vsel vm15, v3, v4  }
.LBB2_9:
0x7d: {  	[tilespmem:s20+$0x10] =	vst v3;
	s23 =	sadd.s32 $0x40, s23;
	s20 =	sadd.s32 $0x40, s20;
	s28 =	sadd.s32 $0x40, s28  }
0x7e: {  	p2 =	sne.s32 s24, $0x7C0;
	s26 =	smov.u32 s24;
	s24 =	sadd.s32 $0x40, s24;
	v3 =	vld [tilespmem:s23+$0xFFFFFFE0]  }
0x7f: {  	v4 =	vld [tilespmem:s28+$0xFFFFFFE0];
	_ =	sdelay $0x3  }
0x80: {  	v3 =	vmul.u32 $0x7A120, v3  }
0x81: {  	v4 =	vsub.s32 v4, v0  }
0x82: {  	vm0 =	vlt.u32 v4, $0x7A120;
	v3 =	vadd.s32 v4, v3;
	v4 =	vadd.s32 s26, v2  }
0x83: {  	v3 =	vsel vm0, v3, v4  }
0x84: {  	[tilespmem:s20+$0xFFFFFFE0] =	vst v3  }
0x85: {  	v3 =	vld [tilespmem:s23+$0xFFFFFFF0]  }
0x86: {  	v4 =	vld [tilespmem:s28+$0xFFFFFFF0];
	_ =	sdelay $0x3  }
0x87: {  	v3 =	vmul.u32 $0x7A120, v3  }
0x88: {  	s31 =	sadd.s32 $0x10, s26;
	v4 =	vsub.s32 v4, v0  }
0x89: {  	vm0 =	vlt.u32 v4, $0x7A120;
	v3 =	vadd.s32 v4, v3;
	v4 =	vadd.s32 s31, v2  }
0x8a: {  	v3 =	vsel vm0, v3, v4  }
0x8b: {  	[tilespmem:s20+$0xFFFFFFF0] =	vst v3  }
0x8c: {  	v3 =	vld [tilespmem:s23+$0x0]  }
0x8d: {  	v4 =	vld [tilespmem:s28+$0x0];
	_ =	sdelay $0x3  }
0x8e: {  	v3 =	vmul.u32 $0x7A120, v3  }
0x8f: {  	s31 =	sadd.s32 $0x20, s26;
	v4 =	vsub.s32 v4, v0  }
0x90: {  	vm0 =	vlt.u32 v4, $0x7A120;
	v3 =	vadd.s32 v4, v3;
	v4 =	vadd.s32 s31, v2  }
0x91: {  	v3 =	vsel vm0, v3, v4  }
0x92: {  	[tilespmem:s20+$0x0] =	vst v3  }
0x93: {  	v3 =	vld [tilespmem:s23+$0x10]  }
0x94: {  	v4 =	vld [tilespmem:s28+$0x10];
	_ =	sdelay $0x2  }
.Ltmp7:
0x95: {  	(pc) =	sbr.rel @p2 .LBB2_9-.Ltmp7, $4  }
0x96: {  	v3 =	vmul.u32 $0x7A120, v3  }
0x97: {  	s26 =	sadd.s32 $0x30, s26;
	v4 =	vsub.s32 v4, v0  }
0x98: {  	vm0 =	vlt.u32 v4, $0x7A120;
	v3 =	vadd.s32 v4, v3;
	v4 =	vadd.s32 s26, v2  }
0x99: {  	v3 =	vsel vm0, v3, v4  }
.Ltmp8:
0x9a: {  	(pc) =	sbr.rel @p1 .LBB2_14-.Ltmp8, $3  }
0x9b: {  	_ =	sdelay $0x1  }
0x9c: {  	[tilespmem:s20+$0x10] =	vst v3  }
0x9d: {  	[spmem:s5] =	stream.indirect.scatter.add.f32 [tilespmem:s4], [sflag:$0x3], $0x1, s18, s17, $0xb8;
	[tilespmem:$0x1EE00] =	vst v63  }
0x9e: {  	_ =	swait.ge [sflag:s21], $0x800  }
0x9f: {  	[sflag:s21] =	ssyncset.done $0x0  }
0xa0: {  	[sflag:s21] =	ssyncadd.s32 $0xFFFFF800  }
0xa1: {  	_ =	swait.ge [sflag:s21], $0x800  }
0xa2: {  	[sflag:s21] =	ssyncset.done $0x0  }
0xa3: {  	[sflag:s21] =	ssyncadd.s32 $0xFFFFF800  }
0xa4: {  	_ =	swait.ge [sflag:s21], $0x800  }
0xa5: {  	[sflag:s21] =	ssyncset.done $0x0  }
0xa6: {  	s23 =	simm.s32 $0x190B0;
	[sflag:s21] =	ssyncadd.s32 $0xFFFFF800  }
0xa7: {  	s28 =	simm.s32 $0x180B0;
	v3 =	vld [tilespmem:s23+$0xFFFFFFD0]  }
0xa8: {  	v4 =	vld [tilespmem:s28+$0xFFFFFFD0];
	_ =	sdelay $0x3  }
0xa9: {  	v3 =	vmul.u32 $0x7A120, v3  }
0xaa: {  	s20 =	simm.s32 $0x0;
	v4 =	vsub.s32 v4, v0  }
0xab: {  	vm0 =	vlt.u32 v4, $0x7A120;
	v3 =	vadd.s32 v4, v3;
	v4 =	vadd.s32 s20, v2  }
0xac: {  	s20 =	simm.s32 $0x1B0A0;
	v3 =	vsel vm0, v3, v4  }
0xad: {  	[tilespmem:s20+$0xFFFFFFE0] =	vst v3  }
0xae: {  	v3 =	vld [tilespmem:s23+$0xFFFFFFE0]  }
0xaf: {  	v4 =	vld [tilespmem:s28+$0xFFFFFFE0];
	_ =	sdelay $0x3  }
0xb0: {  	v3 =	vmul.u32 $0x7A120, v3  }
0xb1: {  	s24 =	simm.s32 $0x10;
	v4 =	vsub.s32 v4, v0  }
0xb2: {  	vm13 =	vlt.u32 v4, $0x7A120;
	v3 =	vadd.s32 v4, v3;
	v4 =	vadd.s32 s24, v2  }
0xb3: {  	v3 =	vsel vm13, v3, v4  }
0xb4: {  	[tilespmem:s20+$0xFFFFFFF0] =	vst v3  }
0xb5: {  	v3 =	vld [tilespmem:s23+$0xFFFFFFF0]  }
0xb6: {  	v4 =	vld [tilespmem:s28+$0xFFFFFFF0];
	_ =	sdelay $0x3  }
0xb7: {  	v3 =	vmul.u32 $0x7A120, v3  }
0xb8: {  	s26 =	simm.s32 $0x20;
	v4 =	vsub.s32 v4, v0  }
0xb9: {  	vm14 =	vlt.u32 v4, $0x7A120;
	v3 =	vadd.s32 v4, v3;
	v4 =	vadd.s32 s26, v2  }
0xba: {  	v3 =	vsel vm14, v3, v4  }
0xbb: {  	[tilespmem:s20+$0x0] =	vst v3  }
0xbc: {  	v3 =	vld [tilespmem:s23+$0x0]  }
0xbd: {  	v4 =	vld [tilespmem:s28+$0x0];
	_ =	sdelay $0x3  }
0xbe: {  	v3 =	vmul.u32 $0x7A120, v3  }
0xbf: {  	s31 =	simm.s32 $0x30;
	v4 =	vsub.s32 v4, v0  }
0xc0: {  	vm15 =	vlt.u32 v4, $0x7A120;
	v3 =	vadd.s32 v4, v3;
	v4 =	vadd.s32 s31, v2  }
0xc1: {  	s24 =	simm.s32 $0x40;
	v3 =	vsel vm15, v3, v4  }
.LBB2_12:
0xc2: {  	[tilespmem:s20+$0x10] =	vst v3;
	s20 =	sadd.s32 $0x40, s20;
	s28 =	sadd.s32 $0x40, s28;
	s23 =	sadd.s32 $0x40, s23  }
0xc3: {  	p1 =	sne.s32 s24, $0x7C0;
	s26 =	smov.u32 s24;
	s24 =	sadd.s32 $0x40, s24;
	v3 =	vld [tilespmem:s23+$0xFFFFFFD0]  }
0xc4: {  	v4 =	vld [tilespmem:s28+$0xFFFFFFD0];
	_ =	sdelay $0x3  }
0xc5: {  	v3 =	vmul.u32 $0x7A120, v3  }
0xc6: {  	v4 =	vsub.s32 v4, v0  }
0xc7: {  	vm0 =	vlt.u32 v4, $0x7A120;
	v3 =	vadd.s32 v4, v3;
	v4 =	vadd.s32 s26, v2  }
0xc8: {  	v3 =	vsel vm0, v3, v4  }
0xc9: {  	[tilespmem:s20+$0xFFFFFFE0] =	vst v3  }
0xca: {  	v3 =	vld [tilespmem:s23+$0xFFFFFFE0]  }
0xcb: {  	v4 =	vld [tilespmem:s28+$0xFFFFFFE0];
	_ =	sdelay $0x3  }
0xcc: {  	v3 =	vmul.u32 $0x7A120, v3  }
0xcd: {  	s31 =	sadd.s32 $0x10, s26;
	v4 =	vsub.s32 v4, v0  }
0xce: {  	vm0 =	vlt.u32 v4, $0x7A120;
	v3 =	vadd.s32 v4, v3;
	v4 =	vadd.s32 s31, v2  }
0xcf: {  	v3 =	vsel vm0, v3, v4  }
0xd0: {  	[tilespmem:s20+$0xFFFFFFF0] =	vst v3  }
0xd1: {  	v3 =	vld [tilespmem:s23+$0xFFFFFFF0]  }
0xd2: {  	v4 =	vld [tilespmem:s28+$0xFFFFFFF0];
	_ =	sdelay $0x3  }
0xd3: {  	v3 =	vmul.u32 $0x7A120, v3  }
0xd4: {  	s31 =	sadd.s32 $0x20, s26;
	v4 =	vsub.s32 v4, v0  }
0xd5: {  	vm0 =	vlt.u32 v4, $0x7A120;
	v3 =	vadd.s32 v4, v3;
	v4 =	vadd.s32 s31, v2  }
0xd6: {  	v3 =	vsel vm0, v3, v4  }
0xd7: {  	[tilespmem:s20+$0x0] =	vst v3  }
0xd8: {  	v3 =	vld [tilespmem:s23+$0x0]  }
0xd9: {  	v4 =	vld [tilespmem:s28+$0x0];
	_ =	sdelay $0x2  }
.Ltmp9:
0xda: {  	(pc) =	sbr.rel @p1 .LBB2_12-.Ltmp9, $4  }
0xdb: {  	v3 =	vmul.u32 $0x7A120, v3  }
0xdc: {  	s26 =	sadd.s32 $0x30, s26;
	v4 =	vsub.s32 v4, v0  }
0xdd: {  	vm0 =	vlt.u32 v4, $0x7A120;
	v3 =	vadd.s32 v4, v3;
	v4 =	vadd.s32 s26, v2  }
0xde: {  	v3 =	vsel vm0, v3, v4  }
0xdf: {  	[tilespmem:s20+$0x10] =	vst v3  }
0xe0: {  	s26 =	sshll.u32 s30, $0x8;
	_ =	swait.ge [sflag:s22], $0x800  }
0xe1: {  	s20 =	sadd.s32 $0x2000, s26;
	[sflag:s22] =	ssyncset.done $0x0  }
0xe2: {  	s24 =	simm.s32 $0x17880;
	s23 =	sadd.s32 s1, s20;
	[sflag:s22] =	ssyncadd.s32 $0xFFFFF800  }
0xe3: {  	[tilespmem:s24], [sflag:$0x1] =	stream.linear.gather [hbm4b:s23+s6], $0x800, $0x38;
	[tilespmem:$0x1EE00] =	vst v63  }
0xe4: {  	s28 =	sadd.s32 s2, s20  }
0xe5: {  	[tilespmem:s0], [sflag:$0x1] =	stream.linear.gather [hbm4b:s28+s6], $0x800, $0x38;
	[tilespmem:$0x1EE00] =	vst v63  }
.Ltmp10:
0xe6: {  	_ = 	snop;
	(pc) =	sbr.rel .LBB2_15-.Ltmp10, $4  }
0xe7: {  	s20 =	sadd.s32 s3, s20  }
0xe8: {  	[tilespmem:s4], [sflag:$0x1] =	stream.linear.gather [hbm4b:s20+s6], $0x800, $0x38;
	[tilespmem:$0x1EE00] =	vst v63  }
0xe9: {  	s30 =	simm.s32 $0x1B080;
	s31 =	simm.s32 $0x1A080  }
0xea: {  	[spmem:s5] =	stream.indirect.scatter.add.f32 [tilespmem:s31], [sflag:$0x4], $0x1, s30, s17, $0xb8;
	[tilespmem:$0x1EE00] =	vst v63  }
.LBB2_16:
.Ltmp11:
0xeb: {  	(pc) =	sbr.rel @p0 .LBB2_20-.Ltmp11, $2  }
0xec: {  	_ =	sdelay $0x2  }
0xed: {  	s30 =	simm.s32 $0x1BE00;
	s31 =	simm.s32 $0x1C200  }
0xee: {  	s12 =	rddreg [dreg:$0xa];
	s13 =	simm.s32 $0x17880  }
0xef: {  	[tilespmem:s13], [sflag:$0x8] =	stream.linear.gather [hbm4b:s12+s6], $0x480, $0x38;
	[tilespmem:$0x1EE00] =	vst v63  }
0xf0: {  	_ =	swait.ge [sflag:s29], $0x480  }
0xf1: {  	[sflag:s29] =	ssyncset.done $0x0  }
0xf2: {  	s23 =	rddreg [dreg:$0xb];
	[sflag:s29] =	ssyncadd.s32 $0xFFFFFB80  }
0xf3: {  	[tilespmem:s0], [sflag:$0x8] =	stream.linear.gather [hbm4b:s23+s6], $0x480, $0x38;
	[tilespmem:$0x1EE00] =	vst v63  }
0xf4: {  	_ =	swait.ge [sflag:s29], $0x480  }
0xf5: {  	[sflag:s29] =	ssyncset.done $0x0  }
0xf6: {  	s24 =	rddreg [dreg:$0xc];
	[sflag:s29] =	ssyncadd.s32 $0xFFFFFB80  }
0xf7: {  	[tilespmem:s4], [sflag:$0x8] =	stream.linear.gather [hbm4b:s24+s6], $0x480, $0x38;
	[tilespmem:$0x1EE00] =	vst v63  }
0xf8: {  	_ =	swait.ge [sflag:s29], $0x480  }
0xf9: {  	[sflag:s29] =	ssyncset.done $0x0  }
0xfa: {  	s12 =	simm.s32 $0x188A0;
	[sflag:s29] =	ssyncadd.s32 $0xFFFFFB80  }
0xfb: {  	s13 =	simm.s32 $0x178A0;
	v3 =	vld [tilespmem:s12+$0xFFFFFFE0]  }
0xfc: {  	v4 =	vld [tilespmem:s13+$0xFFFFFFE0];
	_ =	sdelay $0x3  }
0xfd: {  	v3 =	vmul.u32 $0x7A120, v3  }
0xfe: {  	s20 =	simm.s32 $0x0;
	v4 =	vsub.s32 v4, v0  }
0xff: {  	vm0 =	vlt.u32 v4, $0x7A120;
	v3 =	vadd.s32 v4, v3;
	v4 =	vadd.s32 s20, v2  }
0x100: {  	s20 =	simm.s32 $0x1B8A0;
	v3 =	vsel vm0, v3, v4  }
0x101: {  	[tilespmem:s20+$0xFFFFFFE0] =	vst v3  }
0x102: {  	v3 =	vld [tilespmem:s12+$0xFFFFFFF0]  }
0x103: {  	v4 =	vld [tilespmem:s13+$0xFFFFFFF0];
	_ =	sdelay $0x3  }
0x104: {  	v3 =	vmul.u32 $0x7A120, v3  }
0x105: {  	s23 =	simm.s32 $0x10;
	v4 =	vsub.s32 v4, v0  }
0x106: {  	vm13 =	vlt.u32 v4, $0x7A120;
	v3 =	vadd.s32 v4, v3;
	v4 =	vadd.s32 s23, v2  }
0x107: {  	v3 =	vsel vm13, v3, v4  }
0x108: {  	[tilespmem:s20+$0xFFFFFFF0] =	vst v3  }
0x109: {  	v3 =	vld [tilespmem:s12+$0x0]  }
0x10a: {  	v4 =	vld [tilespmem:s13+$0x0];
	_ =	sdelay $0x3  }
0x10b: {  	v3 =	vmul.u32 $0x7A120, v3  }
0x10c: {  	s26 =	simm.s32 $0x20;
	v4 =	vsub.s32 v4, v0  }
0x10d: {  	vm14 =	vlt.u32 v4, $0x7A120;
	v3 =	vadd.s32 v4, v3;
	v4 =	vadd.s32 s26, v2  }
0x10e: {  	v3 =	vsel vm14, v3, v4  }
0x10f: {  	[tilespmem:s20+$0x0] =	vst v3  }
0x110: {  	v3 =	vld [tilespmem:s12+$0x10]  }
0x111: {  	v4 =	vld [tilespmem:s13+$0x10];
	_ =	sdelay $0x3  }
0x112: {  	v3 =	vmul.u32 $0x7A120, v3  }
0x113: {  	s28 =	simm.s32 $0x30;
	v4 =	vsub.s32 v4, v0  }
0x114: {  	vm15 =	vlt.u32 v4, $0x7A120;
	v3 =	vadd.s32 v4, v3;
	v4 =	vadd.s32 s28, v2  }
0x115: {  	s23 =	simm.s32 $0x70;
	v3 =	vsel vm15, v3, v4  }
.LBB2_18:
0x116: {  	[tilespmem:s20+$0x10] =	vst v3;
	s12 =	sadd.s32 $0x40, s12;
	s20 =	sadd.s32 $0x40, s20;
	s13 =	sadd.s32 $0x40, s13  }
0x117: {  	p1 =	sne.s32 s23, $0x470;
	s24 =	smov.u32 s23;
	s23 =	sadd.s32 $0x40, s23;
	v3 =	vld [tilespmem:s12+$0xFFFFFFE0]  }
0x118: {  	v4 =	vld [tilespmem:s13+$0xFFFFFFE0];
	_ =	sdelay $0x3  }
0x119: {  	v3 =	vmul.u32 $0x7A120, v3  }
0x11a: {  	s26 =	sadd.s32 $0xFFFFFFD0, s24;
	v4 =	vsub.s32 v4, v0  }
0x11b: {  	vm0 =	vlt.u32 v4, $0x7A120;
	v3 =	vadd.s32 v4, v3;
	v4 =	vadd.s32 s26, v2  }
0x11c: {  	v3 =	vsel vm0, v3, v4  }
0x11d: {  	[tilespmem:s20+$0xFFFFFFE0] =	vst v3  }
0x11e: {  	v3 =	vld [tilespmem:s12+$0xFFFFFFF0]  }
0x11f: {  	v4 =	vld [tilespmem:s13+$0xFFFFFFF0];
	_ =	sdelay $0x3  }
0x120: {  	v3 =	vmul.u32 $0x7A120, v3  }
0x121: {  	s26 =	sadd.s32 $0xFFFFFFE0, s24;
	v4 =	vsub.s32 v4, v0  }
0x122: {  	vm0 =	vlt.u32 v4, $0x7A120;
	v3 =	vadd.s32 v4, v3;
	v4 =	vadd.s32 s26, v2  }
0x123: {  	v3 =	vsel vm0, v3, v4  }
0x124: {  	[tilespmem:s20+$0xFFFFFFF0] =	vst v3  }
0x125: {  	v3 =	vld [tilespmem:s12+$0x0]  }
0x126: {  	v4 =	vld [tilespmem:s13+$0x0];
	_ =	sdelay $0x3  }
0x127: {  	v3 =	vmul.u32 $0x7A120, v3  }
0x128: {  	s26 =	sadd.s32 $0xFFFFFFF0, s24;
	v4 =	vsub.s32 v4, v0  }
0x129: {  	vm0 =	vlt.u32 v4, $0x7A120;
	v3 =	vadd.s32 v4, v3;
	v4 =	vadd.s32 s26, v2  }
0x12a: {  	v3 =	vsel vm0, v3, v4  }
0x12b: {  	[tilespmem:s20+$0x0] =	vst v3  }
0x12c: {  	v3 =	vld [tilespmem:s12+$0x10]  }
0x12d: {  	v4 =	vld [tilespmem:s13+$0x10];
	_ =	sdelay $0x2  }
.Ltmp12:
0x12e: {  	(pc) =	sbr.rel @p1 .LBB2_18-.Ltmp12, $4  }
0x12f: {  	v3 =	vmul.u32 $0x7A120, v3  }
0x130: {  	v4 =	vsub.s32 v4, v0  }
0x131: {  	vm0 =	vlt.u32 v4, $0x7A120;
	v3 =	vadd.s32 v4, v3;
	v4 =	vadd.s32 s24, v2  }
0x132: {  	v3 =	vsel vm0, v3, v4  }
0x133: {  	[tilespmem:s20+$0x10] =	vst v3;
	s12 =	simm.s32 $0x480;
	s13 =	simm.s32 $0x1B880  }
0x134: {  	[spmem:s5] =	stream.indirect.scatter.add.f32 [tilespmem:s4], [sflag:$0x8], $0x1, s13, s12, $0xb8;
	[tilespmem:$0x1EE00] =	vst v63  }
0x135: {  	_ =	swait.ge [sflag:s29], $0x480  }
0x136: {  	[sflag:s29] =	ssyncset.done $0x0  }
0x137: {  	[sflag:s29] =	ssyncadd.s32 $0xFFFFFB80  }
.LBB2_20:
0x138: {  	[bflag:$0x0] =	sbarrier.arrive $0xFFFF  }
0x139: {  	s12 =	simm.s32 $0x0;
	s20 =	simm.s32 $0x1BD00;
	s13 =	rddreg [dreg:$0x3]  }
0x13a: {  	[tilespmem:s20], [sflag:$0x8] =	stream.linear.gather [hbm4b:s13+s12], $0x100, $0x38;
	[tilespmem:$0x1EE00] =	vst v63  }
0x13b: {  	_ =	swait.ge [sflag:s29], $0x100  }
0x13c: {  	[sflag:s29] =	ssyncset.done $0x0  }
0x13d: {  	[sflag:s29] =	ssyncadd.s32 $0xFFFFFF00  }
0x13e: {  	v8 =	vld [tilespmem:$0x1BD00]  }
0x13f: {  	v5 =	vld [tilespmem:$0x1BD10]  }
0x140: {  	v10 =	vld [tilespmem:$0x1BD20]  }
0x141: {  	v6 =	vld [tilespmem:$0x1BD30]  }
0x142: {  	v7 =	vld [tilespmem:$0x1BD40]  }
0x143: {  	v11 =	vld [tilespmem:$0x1BD50]  }
0x144: {  	v4 =	vld [tilespmem:$0x1BD60]  }
0x145: {  	s23 =	rddreg [dreg:$0xd];
	v3 =	vld [tilespmem:$0x1BD70]  }
0x146: {  	v9 =	vld [tilespmem:$0x1BD80];
	[tilespmem:s30], [sflag:$0x5] =	stream.linear.gather [spmem:s23], $0x400, $0x38  }
.Ltmp13:
0x147: {  	_ = 	snop;
	(pc) =	sbr.rel .LBB2_21-.Ltmp13, $4  }
0x148: {  	s24 =	rddreg [dreg:$0xe]  }
0x149: {  	[tilespmem:s31], [sflag:$0x5] =	stream.linear.gather [spmem:s24], $0x400, $0x38;
	[tilespmem:$0x1EE00] =	vst v63  }
0x14a: {  	s28 =	simm.s32 $0x1C600;
	s26 =	rddreg [dreg:$0x14]  }
0x14b: {  	[tilespmem:s28], [sflag:$0x5] =	stream.linear.gather [spmem:s26], $0x400, $0x38;
	[tilespmem:$0x1EE00] =	vst v63  }
.LBB2_30:
0x14c: {  	s12 =	sadd.s32 $0x1, s12  }
0x14d: {  	p1 =	sne.s32 s12, $0x10  }
.Ltmp14:
0x14e: {  	_ = 	snop;
	(pc) =	sbr.rel @!p1 .LBB2_31-.Ltmp14, $1  }
0x14f: {  	_ =	sdelay $0x3  }
.LBB2_21:
0x150: {  	s13 =	sshll.u32 s12, $0x5  }
0x151: {  	s23 =	sor.u32 s7, s13  }
0x152: {  	s13 =	sor.u32 $0x10, s23  }
0x153: {  	p1 =	sgt.u32 s13, $0x1E7  }
0x154: {  	s20 =	sshll.u32 @!p1 s13, $0xA  }
0x155: {  	s20 =	sand.u32 @!p1 $0x3FFFFC00, s20  }
0x156: {  	p2 =	sgt.u32 s23, $0x1E7;
	s24 =	simm.s32 @!p1 $0x1CA00;
	s20 =	sadd.s32 @!p1 s20, s5  }
0x157: {  	[tilespmem:s24], [sflag:$0x6] =	stream.linear.gather @!p1 [spmem:s20], $0x400, $0x38;
	[tilespmem:$0x1EE00] =	vst v63  }
.Ltmp15:
0x158: {  	_ = 	snop;
	(pc) =	sbr.rel @p2 .LBB2_30-.Ltmp15, $4  }
0x159: {  	s26 =	simm.s32 @!p1 $0x1CE00;
	s24 =	sadd.s32 @!p1 $0x7A120, s20  }
0x15a: {  	[tilespmem:s26], [sflag:$0x6] =	stream.linear.gather @!p1 [spmem:s24], $0x400, $0x38;
	[tilespmem:$0x1EE00] =	vst v63  }
0x15b: {  	s20 =	sadd.s32 @!p1 $0xF4240, s20;
	s24 =	simm.s32 @!p1 $0x1D200  }
0x15c: {  	[tilespmem:s24], [sflag:$0x6] =	stream.linear.gather @!p1 [spmem:s20], $0x400, $0x38;
	[tilespmem:$0x1EE00] =	vst v63  }
0x15d: {  	_ =	swait.ge [sflag:s14], $0x400  }
0x15e: {  	[sflag:s14] =	ssyncset.done $0x0  }
0x15f: {  	[sflag:s14] =	ssyncadd.s32 $0xFFFFFC00  }
0x160: {  	_ =	swait.ge [sflag:s14], $0x400  }
0x161: {  	[sflag:s14] =	ssyncset.done $0x0  }
0x162: {  	[sflag:s14] =	ssyncadd.s32 $0xFFFFFC00  }
0x163: {  	_ =	swait.ge [sflag:s14], $0x400  }
0x164: {  	[sflag:s14] =	ssyncset.done $0x0  }
0x165: {  	s24 =	simm.s32 $0x0;
	[sflag:s14] =	ssyncadd.s32 $0xFFFFFC00  }
0x166: {  	v12 =	vld [tilespmem:s24+$0x1BE00]  }
0x167: {  	v14 =	vld [tilespmem:s24+$0x1C200];
	_ =	sdelay $0x1  }
0x168: {  	v17 =	vld [tilespmem:s24+$0x1C600];
	_ =	sdelay $0x1  }
0x169: {  	s20 =	simm.s32 $0x10;
	v16 =	vmul.f32 v12, v8;
	v15 =	vmul.f32 v12, v10  }
0x16a: {  	v13 =	vld [tilespmem:s20+$0x1BE00];
	v18 =	vmul.f32 v14, v11;
	v20 =	vmul.f32 v12, v5  }
0x16b: {  	v12 =	vmul.f32 v14, v6;
	v21 =	vmul.f32 v14, v7;
	v14 =	vld [tilespmem:s20+$0x1C200]  }
0x16c: {  	v22 =	vmul.f32 v17, v9;
	v18 =	vadd.f32 v18, v15  }
0x16d: {  	v15 =	vmul.f32 v17, v4;
	v19 =	vadd.f32 v12, v16;
	v12 =	vld [tilespmem:s20+$0x1C600]  }
0x16e: {  	s26 =	simm.s32 $0x80;
	v16 =	vadd.f32 v21, v20;
	v17 =	vmul.f32 v17, v3;
	v18 =	vadd.f32 v22, v18  }
.LBB2_23:
0x16f: {  	s28 =	sshra.s32 s26, $0x2;
	v20 =	vmul.f32 v13, v8;
	v21 =	vmul.f32 v13, v5;
	v15 =	vadd.f32 v15, v19;
	p2 =	sne.s32 s26, $0xFC0  }
.Ltmp16:
0x170: {  	s26 =	sadd.s32 $0x40, s26;
	v19 =	vmul.f32 v13, v10;
	v16 =	vadd.f32 v17, v16;
	v13 =	vld [tilespmem:s28+$0x1BE00];
	v22 =	vmul.f32 v14, v11;
	[tilespmem:s24+$0x1DE00] =	vst v18;
	(pc) =	sbr.rel @p2 .LBB2_23-.Ltmp16, $4  }
0x171: {  	v17 =	vmul.f32 v14, v6;
	v18 =	vmul.f32 v14, v7;
	v14 =	vld [tilespmem:s28+$0x1C200];
	[tilespmem:s24+$0x1D600] =	vst v15  }
0x172: {  	v15 =	vmul.f32 v12, v4;
	v22 =	vadd.f32 v22, v19;
	v23 =	vmul.f32 v12, v9;
	[tilespmem:s24+$0x1DA00] =	vst v16;
	s24 =	smov.u32 s20;
	s20 =	smov.u32 s28  }
0x173: {  	v19 =	vadd.f32 v17, v20;
	v16 =	vadd.f32 v18, v21;
	v17 =	vmul.f32 v12, v3;
	v12 =	vld [tilespmem:s20+$0x1C600]  }
0x174: {  	v18 =	vadd.f32 v23, v22  }
0x175: {  	v20 =	vmul.f32 v13, v8  }
0x176: {  	v21 =	vmul.f32 v13, v10;
	v22 =	vmul.f32 v14, v11  }
0x177: {  	v55 =	vmul.f32 v13, v5;
	v15 =	vadd.f32 v15, v19;
	v56 =	vmul.f32 v14, v6  }
0x178: {  	v57 =	vmul.f32 v14, v7;
	v21 =	vadd.f32 v22, v21;
	v58 =	vmul.f32 v12, v9  }
0x179: {  	v16 =	vadd.f32 v17, v16;
	[tilespmem:s24+$0x1DE00] =	vst v18;
	v59 =	vmul.f32 v12, v4;
	v60 =	vadd.f32 v56, v20  }
0x17a: {  	[tilespmem:s24+$0x1D600] =	vst v15;
	v13 =	vadd.f32 v57, v55;
	v61 =	vmul.f32 v12, v3;
	v62 =	vadd.f32 v58, v21  }
0x17b: {  	[tilespmem:s24+$0x1DA00] =	vst v16;
	s24 =	sshll.u32 s23, $0xA;
	v63 =	vadd.f32 v59, v60  }
0x17c: {  	s26 =	sadd.s32 s11, s24;
	v12 =	vadd.f32 v61, v13;
	[tilespmem:s20+$0x1DE00] =	vst v62  }
0x17d: {  	s26 =	sshrl.u32 s26, $0x3;
	[tilespmem:s20+$0x1D600] =	vst v63  }
0x17e: {  	s28 =	simm.s32 $0x1D600;
	[tilespmem:s20+$0x1DA00] =	vst v12;
	s20 =	sadd.s32 s8, s26  }
0x17f: {  	[hbm4b:s20+s6] =	stream.linear.scatter [tilespmem:s28], [sflag:$0x7], $0x400, $0x38;
	[tilespmem:$0x1EE00] =	vst v63  }
0x180: {  	s20 =	sadd.s32 s9, s26;
	s28 =	simm.s32 $0x1DA00  }
0x181: {  	[hbm4b:s20+s6] =	stream.linear.scatter [tilespmem:s28], [sflag:$0x7], $0x400, $0x38;
	[tilespmem:$0x1EE00] =	vst v63  }
0x182: {  	s26 =	sadd.s32 s10, s26;
	s28 =	simm.s32 $0x1DE00  }
0x183: {  	[hbm4b:s26+s6] =	stream.linear.scatter [tilespmem:s28], [sflag:$0x7], $0x400, $0x38;
	[tilespmem:$0x1EE00] =	vst v63  }
0x184: {  	_ =	swait.ge [sflag:s19], $0x400  }
0x185: {  	[sflag:s19] =	ssyncset.done $0x0  }
0x186: {  	[sflag:s19] =	ssyncadd.s32 $0xFFFFFC00  }
0x187: {  	p2 =	sgt.u32 s23, $0x1C7;
	_ =	swait.ge [sflag:s19], $0x400  }
.Ltmp17:
0x188: {  	[sflag:s19] =	ssyncset.done $0x0;
	(pc) =	sbr.rel @p2 .LBB2_26-.Ltmp17, $4  }
0x189: {  	[sflag:s19] =	ssyncadd.s32 $0xFFFFFC00  }
0x18a: {  	_ =	swait.ge [sflag:s19], $0x400  }
0x18b: {  	[sflag:s19] =	ssyncset.done $0x0  }
0x18c: {  	[sflag:s19] =	ssyncadd.s32 $0xFFFFFC00  }
0x18d: {  	s20 =	sand.u32 $0x3FFFFC00, s24  }
0x18e: {  	s20 =	sadd.s32 s20, s5  }
0x18f: {  	s23 =	sadd.s32 $0x8000, s20  }
0x190: {  	[tilespmem:s30], [sflag:$0x5] =	stream.linear.gather [spmem:s23], $0x400, $0x38;
	[tilespmem:$0x1EE00] =	vst v63  }
.Ltmp18:
0x191: {  	_ = 	snop;
	(pc) =	sbr.rel .LBB2_27-.Ltmp18, $4  }
0x192: {  	s26 =	sadd.s32 $0x82120, s20  }
0x193: {  	[tilespmem:s31], [sflag:$0x5] =	stream.linear.gather [spmem:s26], $0x400, $0x38;
	[tilespmem:$0x1EE00] =	vst v63  }
0x194: {  	s28 =	simm.s32 $0x1C600;
	s20 =	sadd.s32 $0xFC240, s20  }
0x195: {  	[tilespmem:s28], [sflag:$0x5] =	stream.linear.gather [spmem:s20], $0x400, $0x38;
	[tilespmem:$0x1EE00] =	vst v63  }
.LBB2_26:
.Ltmp19:
0x196: {  	(pc) =	sbr.rel @p1 .LBB2_30-.Ltmp19, $1  }
0x197: {  	_ =	sdelay $0x3  }
.LBB2_27:
0x198: {  	_ =	swait.ge [sflag:s25], $0x400  }
0x199: {  	[sflag:s25] =	ssyncset.done $0x0  }
0x19a: {  	[sflag:s25] =	ssyncadd.s32 $0xFFFFFC00  }
0x19b: {  	_ =	swait.ge [sflag:s25], $0x400  }
0x19c: {  	[sflag:s25] =	ssyncset.done $0x0  }
0x19d: {  	[sflag:s25] =	ssyncadd.s32 $0xFFFFFC00  }
0x19e: {  	_ =	swait.ge [sflag:s25], $0x400  }
0x19f: {  	[sflag:s25] =	ssyncset.done $0x0  }
0x1a0: {  	s23 =	simm.s32 $0x0;
	[sflag:s25] =	ssyncadd.s32 $0xFFFFFC00  }
0x1a1: {  	v12 =	vld [tilespmem:s23+$0x1CA00]  }
0x1a2: {  	v14 =	vld [tilespmem:s23+$0x1CE00];
	_ =	sdelay $0x1  }
0x1a3: {  	v17 =	vld [tilespmem:s23+$0x1D200];
	_ =	sdelay $0x1  }
0x1a4: {  	s20 =	simm.s32 $0x10;
	v16 =	vmul.f32 v12, v8;
	v15 =	vmul.f32 v12, v10  }
0x1a5: {  	v13 =	vld [tilespmem:s20+$0x1CA00];
	v18 =	vmul.f32 v14, v11;
	v20 =	vmul.f32 v12, v5  }
0x1a6: {  	v12 =	vmul.f32 v14, v6;
	v21 =	vmul.f32 v14, v7;
	v14 =	vld [tilespmem:s20+$0x1CE00]  }
0x1a7: {  	v22 =	vmul.f32 v17, v9;
	v18 =	vadd.f32 v18, v15  }
0x1a8: {  	v15 =	vmul.f32 v17, v4;
	v19 =	vadd.f32 v12, v16;
	v12 =	vld [tilespmem:s20+$0x1D200]  }
0x1a9: {  	s24 =	simm.s32 $0x80;
	v16 =	vadd.f32 v21, v20;
	v17 =	vmul.f32 v17, v3;
	v18 =	vadd.f32 v22, v18  }
.LBB2_28:
0x1aa: {  	s26 =	sshra.s32 s24, $0x2;
	v20 =	vmul.f32 v13, v8;
	v21 =	vmul.f32 v13, v5;
	v15 =	vadd.f32 v15, v19;
	p1 =	sne.s32 s24, $0xFC0  }
.Ltmp20:
0x1ab: {  	s24 =	sadd.s32 $0x40, s24;
	v19 =	vmul.f32 v13, v10;
	v16 =	vadd.f32 v17, v16;
	v13 =	vld [tilespmem:s26+$0x1CA00];
	v22 =	vmul.f32 v14, v11;
	[tilespmem:s23+$0x1EA00] =	vst v18;
	(pc) =	sbr.rel @p1 .LBB2_28-.Ltmp20, $4  }
0x1ac: {  	v17 =	vmul.f32 v14, v6;
	v18 =	vmul.f32 v14, v7;
	v14 =	vld [tilespmem:s26+$0x1CE00];
	[tilespmem:s23+$0x1E200] =	vst v15  }
0x1ad: {  	v15 =	vmul.f32 v12, v4;
	v22 =	vadd.f32 v22, v19;
	v23 =	vmul.f32 v12, v9;
	[tilespmem:s23+$0x1E600] =	vst v16;
	s23 =	smov.u32 s20;
	s20 =	smov.u32 s26  }
0x1ae: {  	v19 =	vadd.f32 v17, v20;
	v16 =	vadd.f32 v18, v21;
	v17 =	vmul.f32 v12, v3;
	v12 =	vld [tilespmem:s20+$0x1D200]  }
0x1af: {  	v18 =	vadd.f32 v23, v22  }
0x1b0: {  	v20 =	vmul.f32 v13, v8  }
0x1b1: {  	v21 =	vmul.f32 v13, v10;
	v22 =	vmul.f32 v14, v11  }
0x1b2: {  	v55 =	vmul.f32 v13, v5;
	v15 =	vadd.f32 v15, v19;
	v56 =	vmul.f32 v14, v6  }
0x1b3: {  	v57 =	vmul.f32 v14, v7;
	v21 =	vadd.f32 v22, v21;
	v58 =	vmul.f32 v12, v9  }
0x1b4: {  	v16 =	vadd.f32 v17, v16;
	[tilespmem:s23+$0x1EA00] =	vst v18;
	v59 =	vmul.f32 v12, v4;
	v60 =	vadd.f32 v56, v20  }
0x1b5: {  	[tilespmem:s23+$0x1E200] =	vst v15;
	v13 =	vadd.f32 v57, v55;
	v61 =	vmul.f32 v12, v3;
	v62 =	vadd.f32 v58, v21  }
0x1b6: {  	s13 =	sshll.u32 s13, $0xA;
	[tilespmem:s23+$0x1E600] =	vst v16;
	v63 =	vadd.f32 v59, v60  }
0x1b7: {  	s13 =	sadd.s32 s11, s13;
	v12 =	vadd.f32 v61, v13;
	[tilespmem:s20+$0x1EA00] =	vst v62  }
0x1b8: {  	s13 =	sshrl.u32 s13, $0x3;
	[tilespmem:s20+$0x1E200] =	vst v63  }
0x1b9: {  	s28 =	simm.s32 $0x1E200;
	s26 =	sadd.s32 s8, s13;
	[tilespmem:s20+$0x1E600] =	vst v12  }
0x1ba: {  	[hbm4b:s26+s6] =	stream.linear.scatter [tilespmem:s28], [sflag:$0x7], $0x400, $0x38;
	[tilespmem:$0x1EE00] =	vst v63  }
0x1bb: {  	s24 =	sadd.s32 s9, s13;
	s26 =	simm.s32 $0x1E600  }
0x1bc: {  	[hbm4b:s24+s6] =	stream.linear.scatter [tilespmem:s26], [sflag:$0x7], $0x400, $0x38;
	[tilespmem:$0x1EE00] =	vst v63  }
0x1bd: {  	s13 =	sadd.s32 s10, s13;
	s28 =	simm.s32 $0x1EA00  }
0x1be: {  	[hbm4b:s13+s6] =	stream.linear.scatter [tilespmem:s28], [sflag:$0x7], $0x400, $0x38;
	[tilespmem:$0x1EE00] =	vst v63  }
0x1bf: {  	_ =	swait.ge [sflag:s19], $0x400  }
0x1c0: {  	[sflag:s19] =	ssyncset.done $0x0  }
0x1c1: {  	[sflag:s19] =	ssyncadd.s32 $0xFFFFFC00  }
0x1c2: {  	_ =	swait.ge [sflag:s19], $0x400  }
.Ltmp21:
0x1c3: {  	[sflag:s19] =	ssyncset.done $0x0;
	(pc) =	sbr.rel .LBB2_30-.Ltmp21, $4  }
0x1c4: {  	[sflag:s19] =	ssyncadd.s32 $0xFFFFFC00  }
0x1c5: {  	_ =	swait.ge [sflag:s19], $0x400  }
0x1c6: {  	[sflag:s19] =	ssyncset.done $0x0  }
0x1c7: {  	[sflag:s19] =	ssyncadd.s32 $0xFFFFFC00  }
.LBB2_31:
.Ltmp22:
0x1c8: {  	(pc) =	sbr.rel @p0 .LBB2_35-.Ltmp22, $2  }
0x1c9: {  	_ =	sdelay $0x2  }
0x1ca: {  	s13 =	rddreg [dreg:$0x18]  }
0x1cb: {  	s12 =	rddreg [dreg:$0x15]  }
0x1cc: {  	[tilespmem:s30], [sflag:$0x8] =	stream.linear.gather [spmem:s12], $0x120, $0x38;
	[tilespmem:$0x1EE00] =	vst v63  }
0x1cd: {  	_ =	swait.ge [sflag:s29], $0x120  }
0x1ce: {  	[sflag:s29] =	ssyncset.done $0x0  }
0x1cf: {  	s30 =	rddreg [dreg:$0x16];
	[sflag:s29] =	ssyncadd.s32 $0xFFFFFEE0  }
0x1d0: {  	[tilespmem:s31], [sflag:$0x8] =	stream.linear.gather [spmem:s30], $0x120, $0x38;
	[tilespmem:$0x1EE00] =	vst v63  }
0x1d1: {  	_ =	swait.ge [sflag:s29], $0x120  }
0x1d2: {  	[sflag:s29] =	ssyncset.done $0x0  }
0x1d3: {  	s13 =	simm.s32 $0x1C600;
	s31 =	rddreg [dreg:$0x17];
	[sflag:s29] =	ssyncadd.s32 $0xFFFFFEE0  }
0x1d4: {  	[tilespmem:s13], [sflag:$0x8] =	stream.linear.gather [spmem:s31], $0x120, $0x38;
	[tilespmem:$0x1EE00] =	vst v63  }
0x1d5: {  	_ =	swait.ge [sflag:s29], $0x120  }
0x1d6: {  	[sflag:s29] =	ssyncset.done $0x0  }
0x1d7: {  	s12 =	simm.s32 $0x0;
	[sflag:s29] =	ssyncadd.s32 $0xFFFFFEE0  }
0x1d8: {  	v12 =	vld [tilespmem:s12+$0x1BE00]  }
0x1d9: {  	v14 =	vld [tilespmem:s12+$0x1C200];
	_ =	sdelay $0x1  }
0x1da: {  	v17 =	vld [tilespmem:s12+$0x1C600];
	_ =	sdelay $0x1  }
0x1db: {  	s13 =	simm.s32 $0x10;
	v16 =	vmul.f32 v12, v8;
	v15 =	vmul.f32 v12, v10  }
0x1dc: {  	v13 =	vld [tilespmem:s13+$0x1BE00];
	v18 =	vmul.f32 v14, v11;
	v20 =	vmul.f32 v12, v5  }
0x1dd: {  	v12 =	vmul.f32 v14, v6;
	v21 =	vmul.f32 v14, v7;
	v14 =	vld [tilespmem:s13+$0x1C200]  }
0x1de: {  	v22 =	vmul.f32 v17, v9;
	v18 =	vadd.f32 v18, v15  }
0x1df: {  	v15 =	vmul.f32 v17, v4;
	v19 =	vadd.f32 v12, v16;
	v12 =	vld [tilespmem:s13+$0x1C600]  }
0x1e0: {  	s20 =	simm.s32 $0x80;
	v16 =	vadd.f32 v21, v20;
	v17 =	vmul.f32 v17, v3;
	v18 =	vadd.f32 v22, v18  }
.LBB2_33:
0x1e1: {  	s23 =	sshra.s32 s20, $0x2;
	v20 =	vmul.f32 v13, v8;
	v21 =	vmul.f32 v13, v5;
	v15 =	vadd.f32 v15, v19;
	p1 =	sne.s32 s20, $0x440  }
.Ltmp23:
0x1e2: {  	s20 =	sadd.s32 $0x40, s20;
	v19 =	vmul.f32 v13, v10;
	v16 =	vadd.f32 v17, v16;
	v13 =	vld [tilespmem:s23+$0x1BE00];
	v22 =	vmul.f32 v14, v11;
	[tilespmem:s12+$0x1DE00] =	vst v18;
	(pc) =	sbr.rel @p1 .LBB2_33-.Ltmp23, $4  }
0x1e3: {  	v17 =	vmul.f32 v14, v6;
	v18 =	vmul.f32 v14, v7;
	v14 =	vld [tilespmem:s23+$0x1C200];
	[tilespmem:s12+$0x1D600] =	vst v15  }
0x1e4: {  	v15 =	vmul.f32 v12, v4;
	v22 =	vadd.f32 v22, v19;
	v23 =	vmul.f32 v12, v9;
	[tilespmem:s12+$0x1DA00] =	vst v16;
	s12 =	smov.u32 s13;
	s13 =	smov.u32 s23  }
0x1e5: {  	v19 =	vadd.f32 v17, v20;
	v16 =	vadd.f32 v18, v21;
	v17 =	vmul.f32 v12, v3;
	v12 =	vld [tilespmem:s13+$0x1C600]  }
0x1e6: {  	v18 =	vadd.f32 v23, v22  }
0x1e7: {  	v8 =	vmul.f32 v13, v8  }
0x1e8: {  	v10 =	vmul.f32 v13, v10;
	v11 =	vmul.f32 v14, v11  }
0x1e9: {  	v5 =	vmul.f32 v13, v5;
	v61 =	vadd.f32 v15, v19;
	v6 =	vmul.f32 v14, v6  }
0x1ea: {  	v7 =	vmul.f32 v14, v7;
	v10 =	vadd.f32 v11, v10;
	v9 =	vmul.f32 v12, v9  }
0x1eb: {  	v62 =	vadd.f32 v17, v16;
	[tilespmem:s12+$0x1DE00] =	vst v18;
	v4 =	vmul.f32 v12, v4;
	v6 =	vadd.f32 v6, v8  }
0x1ec: {  	[tilespmem:s12+$0x1D600] =	vst v61;
	v5 =	vadd.f32 v7, v5;
	v3 =	vmul.f32 v12, v3;
	v63 =	vadd.f32 v9, v10  }
0x1ed: {  	[tilespmem:s12+$0x1DA00] =	vst v62;
	v4 =	vadd.f32 v4, v6  }
0x1ee: {  	v3 =	vadd.f32 v3, v5;
	[tilespmem:s13+$0x1DE00] =	vst v63  }
0x1ef: {  	[tilespmem:s13+$0x1D600] =	vst v4  }
0x1f0: {  	s23 =	rddreg [dreg:$0xf];
	s24 =	simm.s32 $0x1D600;
	[tilespmem:s13+$0x1DA00] =	vst v3  }
0x1f1: {  	[hbm4b:s23+s6] =	stream.linear.scatter [tilespmem:s24], [sflag:$0x8], $0x120, $0x38;
	[tilespmem:$0x1EE00] =	vst v63  }
0x1f2: {  	_ =	swait.ge [sflag:s29], $0x120  }
0x1f3: {  	[sflag:s29] =	ssyncset.done $0x0  }
0x1f4: {  	s28 =	simm.s32 $0x1DA00;
	s26 =	rddreg [dreg:$0x10];
	[sflag:s29] =	ssyncadd.s32 $0xFFFFFEE0  }
0x1f5: {  	[hbm4b:s26+s6] =	stream.linear.scatter [tilespmem:s28], [sflag:$0x8], $0x120, $0x38;
	[tilespmem:$0x1EE00] =	vst v63  }
0x1f6: {  	_ =	swait.ge [sflag:s29], $0x120  }
0x1f7: {  	s31 =	simm.s32 $0x1DE00;
	[sflag:s29] =	ssyncset.done $0x0  }
.Ltmp24:
0x1f8: {  	s30 =	rddreg [dreg:$0x11];
	[sflag:s29] =	ssyncadd.s32 $0xFFFFFEE0;
	(pc) =	sbr.rel .LBB2_35-.Ltmp24, $4  }
0x1f9: {  	[hbm4b:s30+s6] =	stream.linear.scatter [tilespmem:s31], [sflag:$0x8], $0x120, $0x38;
	[tilespmem:$0x1EE00] =	vst v63  }
0x1fa: {  	_ =	swait.ge [sflag:s29], $0x120  }
0x1fb: {  	[sflag:s29] =	ssyncset.done $0x0  }
0x1fc: {  	s13 =	rddreg [dreg:$0x18];
	[sflag:s29] =	ssyncadd.s32 $0xFFFFFEE0  }
.LBB2_36:
0x1fd: {  	_ =	sfence.sel $0x180000  }
0x1fe: {  	[bflag:$0x0] =	sbarrier.arrive $0xFFFF  }
0x1ff: {  	_ =	strace $0x90000047  }
0x200: {  	[bflag:$0x2] =	sbarrier.arrive $0xFFFF  }
0x201: {  	p0 =	sne.s32 s7, $0x0;
	s0 =	rddreg [dreg:$0x6]  }
0x202: {  	s0 =	sadd.s32 @!p0 $0x100000, s0  }
0x203: {  	[sflag:s0] =	ssyncadd.tile.s32 @!p0 $0x1;
	_ =	shalt  }
.Lfunc_end2:
_tile_overlayer_lowered:
.L_overlay_start_2:
0x204: {  	(tag) =	ssettag $0x2  }
0x205: {  	s0 =	rddreg [dreg:$0x0];
	s2 =	stileid.u32  }
0x206: {  	s1 =	rddreg [dreg:$0x1];
	p0 =	sne.s32 s2, $0x0  }
0x207: {  	s3 =	rddreg [dreg:$0x2];
	[bflag:$0x3] =	sbarrier.arrive $0xFFFF;
	s2 =	simm.s32 @!p0 $0x1C08  }
0x208: {  	[timem:s3], [sflag:s2] =	dma.local @!p0 [hbm:s0], s1  }
0x209: {  	s0 =	simm.s32 @!p0 $0x8  }
0x20a: {  	_ =	swait.ge @!p0 [sflag:s0], s1  }
0x20b: {  	s1 =	ssub.s32 @!p0 $0x0, s1;
	[sflag:s0] =	ssyncset.done @!p0 $0x0  }
0x20c: {  	[sflag:s0] =	ssyncadd.s32 @!p0 s1  }
0x20d: {  	[bflag:$0x3] =	sbarrier.arrive $0xFFFF  }
0x20e: {  	_ =	shalt  }

</sc_bundles>
